<compile_context>
chip_gen: v7x
topology: tpu7x:2x2x1
jax: 0.10.2.dev20260603
libtpu: 0.0.44.dev20260713+nightly
codegen_flags: <defaults>
</compile_context>

<pallas_src>
import dataclasses
import functools

import jax
import jax.numpy as jnp
from jax import lax
from jax.experimental import pallas as pl
from jax.experimental.pallas import tpu as pltpu
from jax.experimental.pallas import tpu_sc as plsc

_N = 10000
_E = 320000
_D = 128
_NC = 2
_NS = 16
_NW = _NC * _NS
_C = 128
_NCHUNK = _E // _C
_NSLOT = 2
_NROUND = _NCHUNK // (_NSLOT * _NW)
_NP = 10240
_HR = _NP // _D
_RPT = _NP // _NS


def _sc_compiler_params():
    cp = pltpu.CompilerParams()
    if "needs_layout_passes" in pltpu.CompilerParams.__dataclass_fields__:
        cp = dataclasses.replace(cp, needs_layout_passes=False)
    return cp


def _sc_aggregate(x, ei):
    mesh = plsc.VectorSubcoreMesh(core_axis_name="c", subcore_axis_name="s")

    @functools.partial(
        pl.kernel,
        mesh=mesh,
        compiler_params=_sc_compiler_params(),
        out_type=(
            jax.ShapeDtypeStruct((_NC, _NP, _D), jnp.float32),
            jax.ShapeDtypeStruct((_NC, _HR, _D), jnp.float32),
        ),
        scratch_types=(
            [pltpu.VMEM((_C,), jnp.int32) for _ in range(2 * _NSLOT)]
            + [pltpu.VMEM((_HR,), jnp.int32)]
            + [pltpu.VMEM((_C, _D), jnp.float32) for _ in range(_NSLOT)]
            + [pltpu.VMEM((_HR, _D), jnp.float32)]
            + [pltpu.VMEM_SHARED((_NP, _D), jnp.float32),
               pltpu.VMEM_SHARED((_HR, _D), jnp.float32)]
            + [pltpu.SemaphoreType.DMA for _ in range(4 * _NSLOT)]
        ),
    )
    def agg(x_hbm, ei_hbm,
            sum_hbm, cnt_hbm,
            s0, s1, d0, d1, iota_v,
            r0, r1, hist_v,
            acc_sh, cnt_sh,
            mis0, mis1, mid0, mid1, mg0, mg1, ms0, ms1):
        src_v = [s0, s1]
        dst_v = [d0, d1]
        rows_v = [r0, r1]
        sem_is = [mis0, mis1]
        sem_id = [mid0, mid1]
        sem_g = [mg0, mg1]
        sem_s = [ms0, ms1]

        cid = lax.axis_index("c")
        sid = lax.axis_index("s")
        wid = sid * _NC + cid
        row0 = sid * _RPT

        for k in range(2):
            pltpu.async_copy(
                ei_hbm.at[pl.ds((wid + k * _NW) * _C, _C)], src_v[k], sem_is[k])
            pltpu.async_copy(
                ei_hbm.at[pl.ds(_E + (wid + k * _NW) * _C, _C)], dst_v[k],
                sem_id[k])

        zeros16 = jnp.zeros((16,), jnp.float32)
        iota16 = jnp.arange(16, dtype=jnp.int32)

        @pl.loop(0, _HR // 16)
        def _(r):
            iota_v[pl.ds(r * 16, 16)] = iota16 + r * 16

        @pl.loop(0, _HR)
        def _(r):
            @pl.loop(0, _D, step=16)
            def _(c):
                hist_v[r, pl.ds(c, 16)] = zeros16

        @pl.loop(0, _RPT // _HR)
        def _(k):
            pltpu.sync_copy(hist_v, acc_sh.at[pl.ds(row0 + k * _HR, _HR)])

        @pl.when(sid == 0)
        def _():
            pltpu.sync_copy(hist_v, cnt_sh)

        plsc.subcore_barrier()

        ones16 = jnp.ones((16,), jnp.float32)

        def hist_chunk(dst_ref):
            @pl.loop(0, _C, step=16)
            def _(k):
                idx = dst_ref[pl.ds(k, 16)]
                plsc.addupdate_scatter(hist_v, [idx >> 7, idx & 127], ones16)

        def ebase(j):
            return (wid + j * _NW) * _C

        def wait_src(k):
            pltpu.make_async_copy(ei_hbm.at[pl.ds(0, _C)], src_v[k],
                                  sem_is[k]).wait()

        def wait_dst(k):
            pltpu.make_async_copy(ei_hbm.at[pl.ds(0, _C)], dst_v[k],
                                  sem_id[k]).wait()

        def wait_scat(k):
            pltpu.make_async_copy(rows_v[k], acc_sh.at[dst_v[k]],
                                  sem_s[k]).wait()

        @pl.loop(0, _NROUND)
        def _(q):
            j0 = _NSLOT * q
            j1 = j0 + 1

            @pl.when(q > 0)
            def _():
                wait_scat(0)
                pltpu.async_copy(ei_hbm.at[pl.ds(_E + ebase(j0), _C)], dst_v[0],
                                 sem_id[0])

            wait_src(0)
            hga = pltpu.async_copy(x_hbm.at[src_v[0]], rows_v[0], sem_g[0])

            @pl.when(q > 0)
            def _():
                wait_scat(1)
                pltpu.async_copy(ei_hbm.at[pl.ds(_E + ebase(j1), _C)], dst_v[1],
                                 sem_id[1])

            wait_src(1)
            hgb = pltpu.async_copy(x_hbm.at[src_v[1]], rows_v[1], sem_g[1])

            hga.wait()

            @pl.when(q < _NROUND - 1)
            def _():
                pltpu.async_copy(ei_hbm.at[pl.ds(ebase(j0 + 2), _C)], src_v[0],
                                 sem_is[0])

            wait_dst(0)
            pltpu.async_copy(rows_v[0], acc_sh.at[dst_v[0]], sem_s[0], add=True)
            hist_chunk(dst_v[0])

            hgb.wait()

            @pl.when(q < _NROUND - 1)
            def _():
                pltpu.async_copy(ei_hbm.at[pl.ds(ebase(j1 + 2), _C)], src_v[1],
                                 sem_is[1])

            wait_dst(1)
            pltpu.async_copy(rows_v[1], acc_sh.at[dst_v[1]], sem_s[1], add=True)
            hist_chunk(dst_v[1])

        wait_scat(0)
        wait_scat(1)

        @pl.when(wid < _NCHUNK - _NSLOT * _NROUND * _NW)
        def _():
            base = (_NSLOT * _NROUND * _NW + wid) * _C
            pltpu.sync_copy(ei_hbm.at[pl.ds(base, _C)], src_v[0])
            pltpu.sync_copy(ei_hbm.at[pl.ds(_E + base, _C)], dst_v[0])
            pltpu.sync_copy(x_hbm.at[src_v[0]], rows_v[0])
            pltpu.sync_copy(rows_v[0], acc_sh.at[dst_v[0]], add=True)
            hist_chunk(dst_v[0])

        pltpu.sync_copy(hist_v, cnt_sh.at[iota_v], add=True)
        plsc.subcore_barrier()

        pltpu.sync_copy(acc_sh.at[pl.ds(row0, _RPT)],
                        sum_hbm.at[cid, pl.ds(row0, _RPT)])

        @pl.when(sid == 0)
        def _():
            pltpu.sync_copy(cnt_sh, cnt_hbm.at[cid])

    return agg(x, ei)


def _tc_xr(x, W_r, b_l):
    def body(xr, wr, bl, out):
        out[...] = jnp.dot(xr[...], wr[...],
                           preferred_element_type=jnp.float32) + bl[...]

    return pl.pallas_call(
        body,
        out_shape=jax.ShapeDtypeStruct((_N, _D), jnp.float32),
    )(x, W_r, b_l)


def _tc_finish(parts, cnt, xr, W_l, W_fc, b_fc):
    def body(pp, cc, xw, wl, wfc, bfc, out):
        p = pp[0, :_N, :] + pp[1, :_N, :]
        mean = p / jnp.maximum(cc[...], 1.0)
        h = jnp.dot(mean, wl[...], preferred_element_type=jnp.float32) + xw[...]
        h = jnp.maximum(h, 0.0)
        out[...] = jnp.dot(h, wfc[...], preferred_element_type=jnp.float32) + bfc[...]

    return pl.pallas_call(
        body,
        out_shape=jax.ShapeDtypeStruct((_N, 1), jnp.float32),
    )(parts, cnt, xr, W_l, W_fc, b_fc)


def kernel(x, edge_index, W_l, b_l, W_r, W_fc, b_fc):
    xr = _tc_xr(x, W_r, b_l[None, :])
    parts, cnts = _sc_aggregate(x, edge_index.reshape(-1))
    cnt = (cnts[0] + cnts[1]).reshape(_NP, 1)[:_N]
    return _tc_finish(parts, cnt, xr, W_l, W_fc, b_fc[None, :])

# --- scband reference (transcript-rebuilt; emitter-appended) ---
"""Pipeline reference for scband-sage-55602646614064 (READ-ONLY COPY).

The authoritative reference and input builder live on the scoring server;
editing this copy changes nothing except your own understanding.
"""

import jax, jax.numpy as jnp
import numpy as np

N = 10000
E = 320000
D = 128
H = 128


def setup_inputs(seed: int = 0) -> dict:
    key = jax.random.key(seed)
    ks = jax.random.split(key, 8)
    x = jax.random.normal(ks[0], (N, D), dtype=jnp.float32)
    edge_index = jax.random.randint(ks[1], (2, E), 0, N, dtype=jnp.int32)
    # SAGEConv(D -> H) parameters: lin_l applied to aggregated neighbor mean,
    # lin_r applied to root features, bias lives in lin_l (PyG convention).
    W_l = jax.random.normal(ks[2], (D, H), dtype=jnp.float32) * (1.0 / np.sqrt(D))
    b_l = jnp.zeros((H,), dtype=jnp.float32)
    W_r = jax.random.normal(ks[3], (D, H), dtype=jnp.float32) * (1.0 / np.sqrt(D))
    # final fc: Linear(H, 1)
    W_fc = jax.random.normal(ks[4], (H, 1), dtype=jnp.float32) * (1.0 / np.sqrt(H))
    b_fc = jnp.zeros((1,), dtype=jnp.float32)
    return {"x": x, "edge_index": edge_index, "W_l": W_l, "b_l": b_l,
            "W_r": W_r, "W_fc": W_fc, "b_fc": b_fc}


def reference(x, edge_index, W_l, b_l, W_r, W_fc, b_fc):
    # dropout with training=False is identity, so it is omitted.
    src = edge_index[0]
    dst = edge_index[1]
    # SAGEConv with mean aggregation:
    # h_i = lin_l(mean_{j in N(i)} x_j) + lin_r(x_i)
    msg = jnp.take(x, src, axis=0)                                   # gather  [E, D]
    summed = jax.ops.segment_sum(msg, dst, num_segments=N)           # scatter-add [N, D]
    cnt = jax.ops.segment_sum(jnp.ones((E,), dtype=x.dtype), dst, num_segments=N)
    mean = summed / jnp.clip(cnt, 1.0)[:, None]
    h = mean @ W_l + b_l + x @ W_r
    h = jax.nn.relu(h)
    out = h @ W_fc + b_fc                                            # [N, 1]
    return out

if __name__ == "__main__":
    import jax
    _d = setup_inputs()
    print(jax.jit(kernel)(*tuple(_d.values())))

</pallas_src>

<mosaic_0001>
#map = affine_map<(d0, d1) -> (0, 0)>
#map1 = affine_map<(d0, d1) -> (0)>
#map2 = affine_map<(d0, d1) -> (0, 0, 0)>
module attributes {stable_mosaic.version = 14 : i64} {
  func.func @agg(%arg0: i32, %arg1: i32, %arg2: memref<10000x128xf32, #tpu.memory_space<hbm>>, %arg3: memref<640000xi32, #tpu.memory_space<hbm>>, %arg4: memref<2x10240x128xf32, #tpu.memory_space<hbm>>, %arg5: memref<2x80x128xf32, #tpu.memory_space<hbm>>, %arg6: memref<128xi32, #tpu.memory_space<vmem>>, %arg7: memref<128xi32, #tpu.memory_space<vmem>>, %arg8: memref<128xi32, #tpu.memory_space<vmem>>, %arg9: memref<128xi32, #tpu.memory_space<vmem>>, %arg10: memref<80xi32, #tpu.memory_space<vmem>>, %arg11: memref<128x128xf32, #tpu.memory_space<vmem>>, %arg12: memref<128x128xf32, #tpu.memory_space<vmem>>, %arg13: memref<80x128xf32, #tpu.memory_space<vmem>>, %arg14: memref<10240x128xf32, #tpu.memory_space<vmem_shared>>, %arg15: memref<80x128xf32, #tpu.memory_space<vmem_shared>>, %arg16: memref<!tpu.dma_semaphore, #tpu.memory_space<semaphore_mem>>, %arg17: memref<!tpu.dma_semaphore, #tpu.memory_space<semaphore_mem>>, %arg18: memref<!tpu.dma_semaphore, #tpu.memory_space<semaphore_mem>>, %arg19: memref<!tpu.dma_semaphore, #tpu.memory_space<semaphore_mem>>, %arg20: memref<!tpu.dma_semaphore, #tpu.memory_space<semaphore_mem>>, %arg21: memref<!tpu.dma_semaphore, #tpu.memory_space<semaphore_mem>>, %arg22: memref<!tpu.dma_semaphore, #tpu.memory_space<semaphore_mem>>, %arg23: memref<!tpu.dma_semaphore, #tpu.memory_space<semaphore_mem>>) attributes {dimension_semantics = [#tpu.dimension_semantics<core_parallel>, #tpu.dimension_semantics<subcore_parallel>], iteration_bounds = array<i64: 2, 16>, scalar_prefetch = 0 : i64, scratch_operands = 18 : i64, tpu.core_type = #tpu.core_type<sc_vector_subcore>, window_params = [{transform_indices = #map}, {transform_indices = #map1}, {transform_indices = #map2}, {transform_indices = #map2}]} {
    %mul3A = arith.constant 2 : i32
    %mul3A_0 = arith.muli %arg1, %mul3A : i32
    %add3A = arith.addi %mul3A_0, %arg0 : i32
    %mul3A_1 = arith.constant 640 : i32
    %mul3A_2 = arith.muli %arg1, %mul3A_1 : i32
    %add3A_3 = arith.constant 0 : i32
    %add3A_4 = arith.addi %add3A, %add3A_3 : i32
    %mul3A_5 = arith.constant 128 : i32
    %mul3A_6 = arith.muli %add3A_4, %mul3A_5 : i32
    %dma_start3A = tpu.memref_slice %arg3[%mul3A_6] : memref<640000xi32, #tpu.memory_space<hbm>> -> memref<128xi32, #tpu.memory_space<hbm>>
    %dma_start3A_7 = tpu.memref_slice %arg3[%mul3A_6] : memref<640000xi32, #tpu.memory_space<hbm>> -> memref<128xi32, #tpu.memory_space<hbm>>
    tpu.enqueue_dma source(%dma_start3A_7 : memref<128xi32, #tpu.memory_space<hbm>>) target(%arg6 : memref<128xi32, #tpu.memory_space<vmem>>) target_semaphore(%arg16 : memref<!tpu.dma_semaphore, #tpu.memory_space<semaphore_mem>>)
    %add3A_8 = arith.constant 0 : i32
    %add3A_9 = arith.addi %add3A, %add3A_8 : i32
    %mul3A_10 = arith.constant 128 : i32
    %mul3A_11 = arith.muli %add3A_9, %mul3A_10 : i32
    %add3A_12 = arith.constant 320000 : i32
    %add3A_13 = arith.addi %add3A_12, %mul3A_11 : i32
    %dma_start3A_14 = tpu.memref_slice %arg3[%add3A_13] : memref<640000xi32, #tpu.memory_space<hbm>> -> memref<128xi32, #tpu.memory_space<hbm>>
    %dma_start3A_15 = tpu.memref_slice %arg3[%add3A_13] : memref<640000xi32, #tpu.memory_space<hbm>> -> memref<128xi32, #tpu.memory_space<hbm>>
    tpu.enqueue_dma source(%dma_start3A_15 : memref<128xi32, #tpu.memory_space<hbm>>) target(%arg8 : memref<128xi32, #tpu.memory_space<vmem>>) target_semaphore(%arg18 : memref<!tpu.dma_semaphore, #tpu.memory_space<semaphore_mem>>)
    %add3A_16 = arith.constant 32 : i32
    %add3A_17 = arith.addi %add3A, %add3A_16 : i32
    %mul3A_18 = arith.constant 128 : i32
    %mul3A_19 = arith.muli %add3A_17, %mul3A_18 : i32
    %dma_start3A_20 = tpu.memref_slice %arg3[%mul3A_19] : memref<640000xi32, #tpu.memory_space<hbm>> -> memref<128xi32, #tpu.memory_space<hbm>>
    %dma_start3A_21 = tpu.memref_slice %arg3[%mul3A_19] : memref<640000xi32, #tpu.memory_space<hbm>> -> memref<128xi32, #tpu.memory_space<hbm>>
    tpu.enqueue_dma source(%dma_start3A_21 : memref<128xi32, #tpu.memory_space<hbm>>) target(%arg7 : memref<128xi32, #tpu.memory_space<vmem>>) target_semaphore(%arg17 : memref<!tpu.dma_semaphore, #tpu.memory_space<semaphore_mem>>)
    %add3A_22 = arith.constant 32 : i32
    %add3A_23 = arith.addi %add3A, %add3A_22 : i32
    %mul3A_24 = arith.constant 128 : i32
    %mul3A_25 = arith.muli %add3A_23, %mul3A_24 : i32
    %add3A_26 = arith.constant 320000 : i32
    %add3A_27 = arith.addi %add3A_26, %mul3A_25 : i32
    %dma_start3A_28 = tpu.memref_slice %arg3[%add3A_27] : memref<640000xi32, #tpu.memory_space<hbm>> -> memref<128xi32, #tpu.memory_space<hbm>>
    %dma_start3A_29 = tpu.memref_slice %arg3[%add3A_27] : memref<640000xi32, #tpu.memory_space<hbm>> -> memref<128xi32, #tpu.memory_space<hbm>>
    tpu.enqueue_dma source(%dma_start3A_29 : memref<128xi32, #tpu.memory_space<hbm>>) target(%arg9 : memref<128xi32, #tpu.memory_space<vmem>>) target_semaphore(%arg19 : memref<!tpu.dma_semaphore, #tpu.memory_space<semaphore_mem>>)
    %broadcast_in_dim3A = arith.constant 0.000000e+00 : f32
    %broadcast_in_dim3A_30 = vector.broadcast %broadcast_in_dim3A : f32 to vector<16xf32>
    %iota3A = tpu.iota {dimensions = array<i32: 0>} : vector<16xi32>
    %scan3A = arith.constant 0 : i32
    %scan3A_31 = arith.constant 5 : i32
    %scan3A_32 = arith.addi %scan3A, %scan3A_31 : i32
    %scan3A_33 = arith.constant 1 : i32
    scf.for %scan3A_69 = %scan3A to %scan3A_32 step %scan3A_33  : i32 {
      %mul3A_70 = arith.constant 1 : i32
      %mul3A_71 = arith.muli %scan3A_69, %mul3A_70 : i32
      %add3A_72 = arith.constant 0 : i32
      %add3A_73 = arith.addi %add3A_72, %mul3A_71 : i32
      %mul3A_74 = arith.constant 16 : i32
      %mul3A_75 = arith.muli %add3A_73, %mul3A_74 : i32
      %add3A_76 = vector.broadcast %mul3A_75 : i32 to vector<16xi32>
      %add3A_77 = arith.addi %iota3A, %add3A_76 : vector<16xi32>
      %mul3A_78 = arith.constant 16 : i32
      %mul3A_79 = arith.muli %add3A_73, %mul3A_78 : i32
      %swap3A = arith.index_cast %mul3A_79 : i32 to index
      %swap3A_80 = tpu.vector_load %arg10[%swap3A] {strides = array<i32>} : memref<80xi32, #tpu.memory_space<vmem>>, vector<16xi32>,
      tpu.vector_store %arg10[%swap3A], %add3A_77 {strides = array<i32>} : memref<80xi32, #tpu.memory_space<vmem>>, vector<16xi32>,
    }
    %scan3A_34 = arith.constant 5 : i32
    %scan3A_35 = arith.constant 0 : i32
    %scan3A_36 = arith.constant 80 : i32
    %scan3A_37 = arith.addi %scan3A_35, %scan3A_36 : i32
    %scan3A_38 = arith.constant 1 : i32
    scf.for %scan3A_69 = %scan3A_35 to %scan3A_37 step %scan3A_38  : i32 {
      %mul3A_70 = arith.constant 1 : i32
      %mul3A_71 = arith.muli %scan3A_69, %mul3A_70 : i32
      %add3A_72 = arith.constant 0 : i32
      %add3A_73 = arith.addi %add3A_72, %mul3A_71 : i32
      %scan3A_74 = arith.constant 0 : i32
      %scan3A_75 = arith.constant 8 : i32
      %scan3A_76 = arith.addi %scan3A_74, %scan3A_75 : i32
      %scan3A_77 = arith.constant 1 : i32
      scf.for %scan3A_79 = %scan3A_74 to %scan3A_76 step %scan3A_77  : i32 {
        %mul3A_80 = arith.constant 16 : i32
        %mul3A_81 = arith.muli %scan3A_79, %mul3A_80 : i32
        %add3A_82 = arith.constant 0 : i32
        %add3A_83 = arith.addi %add3A_82, %mul3A_81 : i32
        %swap3A = arith.index_cast %add3A_73 : i32 to index
        %swap3A_84 = arith.index_cast %add3A_83 : i32 to index
        %swap3A_85 = tpu.vector_load %arg13[%swap3A, %swap3A_84] {strides = array<i32>} : memref<80x128xf32, #tpu.memory_space<vmem>>, vector<16xf32>,
        tpu.vector_store %arg13[%swap3A, %swap3A_84], %broadcast_in_dim3A_30 {strides = array<i32>} : memref<80x128xf32, #tpu.memory_space<vmem>>, vector<16xf32>,
      }
      %scan3A_78 = arith.constant 8 : i32
    }
    %scan3A_39 = arith.constant 80 : i32
    %scan3A_40 = arith.constant 0 : i32
    %scan3A_41 = arith.constant 8 : i32
    %scan3A_42 = arith.addi %scan3A_40, %scan3A_41 : i32
    %scan3A_43 = arith.constant 1 : i32
    scf.for %scan3A_69 = %scan3A_40 to %scan3A_42 step %scan3A_43  : i32 {
      %mul3A_70 = arith.constant 1 : i32
      %mul3A_71 = arith.muli %scan3A_69, %mul3A_70 : i32
      %add3A_72 = arith.constant 0 : i32
      %add3A_73 = arith.addi %add3A_72, %mul3A_71 : i32
      %mul3A_74 = arith.constant 80 : i32
      %mul3A_75 = arith.muli %add3A_73, %mul3A_74 : i32
      %add3A_76 = arith.addi %mul3A_2, %mul3A_75 : i32
      "tpu.region"() ({
        %run_scoped3A = tpu.sem_alloc : memref<!tpu.dma_semaphore, #tpu.memory_space<semaphore_mem>>
        %dma_start3A_77 = arith.constant 0 : i32
        %dma_start3A_78 = tpu.memref_slice %arg14[%add3A_76, %dma_start3A_77] : memref<10240x128xf32, #tpu.memory_space<vmem_shared>> -> memref<80x128xf32, #tpu.memory_space<vmem_shared>>
        %dma_start3A_79 = arith.constant 0 : i32
        %dma_start3A_80 = tpu.memref_slice %arg14[%add3A_76, %dma_start3A_79] : memref<10240x128xf32, #tpu.memory_space<vmem_shared>> -> memref<80x128xf32, #tpu.memory_space<vmem_shared>>
        tpu.enqueue_dma source(%arg13 : memref<80x128xf32, #tpu.memory_space<vmem>>) target(%dma_start3A_80 : memref<80x128xf32, #tpu.memory_space<vmem_shared>>) target_semaphore(%run_scoped3A : memref<!tpu.dma_semaphore, #tpu.memory_space<semaphore_mem>>)
        %dma_wait3A_81 = arith.constant 0 : i32
        %dma_wait3A_82 = tpu.memref_slice %arg14[%add3A_76, %dma_wait3A_81] : memref<10240x128xf32, #tpu.memory_space<vmem_shared>> -> memref<80x128xf32, #tpu.memory_space<vmem_shared>>
        %dma_wait3A_83 = arith.constant 0 : i32
        %dma_wait3A_84 = tpu.memref_slice %arg14[%add3A_76, %dma_wait3A_83] : memref<10240x128xf32, #tpu.memory_space<vmem_shared>> -> memref<80x128xf32, #tpu.memory_space<vmem_shared>>
        tpu.wait_dma2 semaphore(%run_scoped3A : memref<!tpu.dma_semaphore, #tpu.memory_space<semaphore_mem>>) src(%arg13 : memref<80x128xf32, #tpu.memory_space<vmem>>) dst(%dma_wait3A_84 : memref<80x128xf32, #tpu.memory_space<vmem_shared>>)
        tpu.yield
      }) : () -> ()
    }
    %scan3A_44 = arith.constant 8 : i32
    %eq3A = arith.constant 0 : i32
    %eq3A_45 = arith.cmpi eq, %arg1, %eq3A : i32
    %convert_element_type3A = arith.extui %eq3A_45 : i1 to i32
    %cond3A = arith.constant 0 : i32
    %cond3A_46 = arith.cmpi ne, %convert_element_type3A, %cond3A : i32
    scf.if %cond3A_46 {
      "tpu.region"() ({
        %run_scoped3A = tpu.sem_alloc : memref<!tpu.dma_semaphore, #tpu.memory_space<semaphore_mem>>
        tpu.enqueue_dma source(%arg13 : memref<80x128xf32, #tpu.memory_space<vmem>>) target(%arg15 : memref<80x128xf32, #tpu.memory_space<vmem_shared>>) target_semaphore(%run_scoped3A : memref<!tpu.dma_semaphore, #tpu.memory_space<semaphore_mem>>)
        tpu.wait_dma2 semaphore(%run_scoped3A : memref<!tpu.dma_semaphore, #tpu.memory_space<semaphore_mem>>) src(%arg13 : memref<80x128xf32, #tpu.memory_space<vmem>>) dst(%arg15 : memref<80x128xf32, #tpu.memory_space<vmem_shared>>)
        tpu.yield
      }) : () -> ()
    } else {
    }
    %barrier3A = arith.constant 0 : index
    tpu.barrier barrier_id(%barrier3A)
    %broadcast_in_dim3A_47 = arith.constant 1.000000e+00 : f32
    %broadcast_in_dim3A_48 = vector.broadcast %broadcast_in_dim3A_47 : f32 to vector<16xf32>
    %scan3A_49 = arith.constant 0 : i32
    %scan3A_50 = arith.constant 39 : i32
    %scan3A_51 = arith.addi %scan3A_49, %scan3A_50 : i32
    %scan3A_52 = arith.constant 1 : i32
    scf.for %scan3A_69 = %scan3A_49 to %scan3A_51 step %scan3A_52  : i32 {
      %mul3A_70 = arith.constant 1 : i32
      %mul3A_71 = arith.muli %scan3A_69, %mul3A_70 : i32
      %add3A_72 = arith.constant 0 : i32
      %add3A_73 = arith.addi %add3A_72, %mul3A_71 : i32
      %mul3A_74 = arith.constant 2 : i32
      %mul3A_75 = arith.muli %mul3A_74, %add3A_73 : i32
      %add3A_76 = arith.constant 1 : i32
      %add3A_77 = arith.addi %mul3A_75, %add3A_76 : i32
      %gt3A = arith.constant 0 : i32
      %gt3A_78 = arith.cmpi sgt, %add3A_73, %gt3A : i32
      %convert_element_type3A_79 = arith.extui %gt3A_78 : i1 to i32
      %cond3A_80 = arith.constant 0 : i32
      %cond3A_81 = arith.cmpi ne, %convert_element_type3A_79, %cond3A_80 : i32
      scf.if %cond3A_81 {
        %dma_wait3A_141 = arith.constant 0 : i32
        %dma_wait3A_142 = arith.constant 0 : i32
        %dma_wait3A_143 = tpu.memref_slice %arg14[%dma_wait3A_141, %dma_wait3A_142] : memref<10240x128xf32, #tpu.memory_space<vmem_shared>> -> memref<10240x128xf32, #tpu.memory_space<vmem_shared>>
        tpu.wait_indirect_dma semaphore(%arg22 : memref<!tpu.dma_semaphore, #tpu.memory_space<semaphore_mem>>) src(%arg11 : memref<128x128xf32, #tpu.memory_space<vmem>>) dst(%dma_wait3A_143 : memref<10240x128xf32, #tpu.memory_space<vmem_shared>>)
        %mul3A_144 = arith.constant 32 : i32
        %mul3A_145 = arith.muli %mul3A_75, %mul3A_144 : i32
        %add3A_146 = arith.addi %add3A, %mul3A_145 : i32
        %mul3A_147 = arith.constant 128 : i32
        %mul3A_148 = arith.muli %add3A_146, %mul3A_147 : i32
        %add3A_149 = arith.constant 320000 : i32
        %add3A_150 = arith.addi %add3A_149, %mul3A_148 : i32
        %dma_start3A_151 = tpu.memref_slice %arg3[%add3A_150] : memref<640000xi32, #tpu.memory_space<hbm>> -> memref<128xi32, #tpu.memory_space<hbm>>
        %dma_start3A_152 = tpu.memref_slice %arg3[%add3A_150] : memref<640000xi32, #tpu.memory_space<hbm>> -> memref<128xi32, #tpu.memory_space<hbm>>
        tpu.enqueue_dma source(%dma_start3A_152 : memref<128xi32, #tpu.memory_space<hbm>>) target(%arg8 : memref<128xi32, #tpu.memory_space<vmem>>) target_semaphore(%arg18 : memref<!tpu.dma_semaphore, #tpu.memory_space<semaphore_mem>>)
      } else {
      }
      %dma_wait3A_82 = arith.constant 0 : i32
      %dma_wait3A_83 = tpu.memref_slice %arg3[%dma_wait3A_82] : memref<640000xi32, #tpu.memory_space<hbm>> -> memref<128xi32, #tpu.memory_space<hbm>>
      %dma_wait3A_84 = arith.constant 0 : i32
      %dma_wait3A_85 = tpu.memref_slice %arg3[%dma_wait3A_84] : memref<640000xi32, #tpu.memory_space<hbm>> -> memref<128xi32, #tpu.memory_space<hbm>>
      tpu.wait_dma2 semaphore(%arg16 : memref<!tpu.dma_semaphore, #tpu.memory_space<semaphore_mem>>) src(%dma_wait3A_85 : memref<128xi32, #tpu.memory_space<hbm>>) dst(%arg6 : memref<128xi32, #tpu.memory_space<vmem>>)
      %dma_start3A_86 = arith.constant 0 : i32
      %dma_start3A_87 = arith.constant 0 : i32
      %dma_start3A_88 = tpu.memref_slice %arg2[%dma_start3A_86, %dma_start3A_87] : memref<10000x128xf32, #tpu.memory_space<hbm>> -> memref<10000x128xf32, #tpu.memory_space<hbm>>
      tpu.enqueue_indirect_dma source(%dma_start3A_88 : memref<10000x128xf32, #tpu.memory_space<hbm>>) target(%arg11 : memref<128x128xf32, #tpu.memory_space<vmem>>) offsets(%arg6 : memref<128xi32, #tpu.memory_space<vmem>>) semaphore(%arg20 : memref<!tpu.dma_semaphore, #tpu.memory_space<semaphore_mem>>)
      %gt3A_89 = arith.constant 0 : i32
      %gt3A_90 = arith.cmpi sgt, %add3A_73, %gt3A_89 : i32
      %convert_element_type3A_91 = arith.extui %gt3A_90 : i1 to i32
      %cond3A_92 = arith.constant 0 : i32
      %cond3A_93 = arith.cmpi ne, %convert_element_type3A_91, %cond3A_92 : i32
      scf.if %cond3A_93 {
        %dma_wait3A_141 = arith.constant 0 : i32
        %dma_wait3A_142 = arith.constant 0 : i32
        %dma_wait3A_143 = tpu.memref_slice %arg14[%dma_wait3A_141, %dma_wait3A_142] : memref<10240x128xf32, #tpu.memory_space<vmem_shared>> -> memref<10240x128xf32, #tpu.memory_space<vmem_shared>>
        tpu.wait_indirect_dma semaphore(%arg23 : memref<!tpu.dma_semaphore, #tpu.memory_space<semaphore_mem>>) src(%arg12 : memref<128x128xf32, #tpu.memory_space<vmem>>) dst(%dma_wait3A_143 : memref<10240x128xf32, #tpu.memory_space<vmem_shared>>)
        %mul3A_144 = arith.constant 32 : i32
        %mul3A_145 = arith.muli %add3A_77, %mul3A_144 : i32
        %add3A_146 = arith.addi %add3A, %mul3A_145 : i32
        %mul3A_147 = arith.constant 128 : i32
        %mul3A_148 = arith.muli %add3A_146, %mul3A_147 : i32
        %add3A_149 = arith.constant 320000 : i32
        %add3A_150 = arith.addi %add3A_149, %mul3A_148 : i32
        %dma_start3A_151 = tpu.memref_slice %arg3[%add3A_150] : memref<640000xi32, #tpu.memory_space<hbm>> -> memref<128xi32, #tpu.memory_space<hbm>>
        %dma_start3A_152 = tpu.memref_slice %arg3[%add3A_150] : memref<640000xi32, #tpu.memory_space<hbm>> -> memref<128xi32, #tpu.memory_space<hbm>>
        tpu.enqueue_dma source(%dma_start3A_152 : memref<128xi32, #tpu.memory_space<hbm>>) target(%arg9 : memref<128xi32, #tpu.memory_space<vmem>>) target_semaphore(%arg19 : memref<!tpu.dma_semaphore, #tpu.memory_space<semaphore_mem>>)
      } else {
      }
      %dma_wait3A_94 = arith.constant 0 : i32
      %dma_wait3A_95 = tpu.memref_slice %arg3[%dma_wait3A_94] : memref<640000xi32, #tpu.memory_space<hbm>> -> memref<128xi32, #tpu.memory_space<hbm>>
      %dma_wait3A_96 = arith.constant 0 : i32
      %dma_wait3A_97 = tpu.memref_slice %arg3[%dma_wait3A_96] : memref<640000xi32, #tpu.memory_space<hbm>> -> memref<128xi32, #tpu.memory_space<hbm>>
      tpu.wait_dma2 semaphore(%arg17 : memref<!tpu.dma_semaphore, #tpu.memory_space<semaphore_mem>>) src(%dma_wait3A_97 : memref<128xi32, #tpu.memory_space<hbm>>) dst(%arg7 : memref<128xi32, #tpu.memory_space<vmem>>)
      %dma_start3A_98 = arith.constant 0 : i32
      %dma_start3A_99 = arith.constant 0 : i32
      %dma_start3A_100 = tpu.memref_slice %arg2[%dma_start3A_98, %dma_start3A_99] : memref<10000x128xf32, #tpu.memory_space<hbm>> -> memref<10000x128xf32, #tpu.memory_space<hbm>>
      tpu.enqueue_indirect_dma source(%dma_start3A_100 : memref<10000x128xf32, #tpu.memory_space<hbm>>) target(%arg12 : memref<128x128xf32, #tpu.memory_space<vmem>>) offsets(%arg7 : memref<128xi32, #tpu.memory_space<vmem>>) semaphore(%arg21 : memref<!tpu.dma_semaphore, #tpu.memory_space<semaphore_mem>>)
      %dma_wait3A_101 = arith.constant 0 : i32
      %dma_wait3A_102 = arith.constant 0 : i32
      %dma_wait3A_103 = tpu.memref_slice %arg2[%dma_wait3A_101, %dma_wait3A_102] : memref<10000x128xf32, #tpu.memory_space<hbm>> -> memref<10000x128xf32, #tpu.memory_space<hbm>>
      tpu.wait_indirect_dma semaphore(%arg20 : memref<!tpu.dma_semaphore, #tpu.memory_space<semaphore_mem>>) src(%dma_wait3A_103 : memref<10000x128xf32, #tpu.memory_space<hbm>>) dst(%arg11 : memref<128x128xf32, #tpu.memory_space<vmem>>)
      %lt3A_104 = arith.constant 38 : i32
      %lt3A_105 = arith.cmpi slt, %add3A_73, %lt3A_104 : i32
      %convert_element_type3A_106 = arith.extui %lt3A_105 : i1 to i32
      %cond3A_107 = arith.constant 0 : i32
      %cond3A_108 = arith.cmpi ne, %convert_element_type3A_106, %cond3A_107 : i32
      scf.if %cond3A_108 {
        %add3A_141 = arith.constant 2 : i32
        %add3A_142 = arith.addi %mul3A_75, %add3A_141 : i32
        %mul3A_143 = arith.constant 32 : i32
        %mul3A_144 = arith.muli %add3A_142, %mul3A_143 : i32
        %add3A_145 = arith.addi %add3A, %mul3A_144 : i32
        %mul3A_146 = arith.constant 128 : i32
        %mul3A_147 = arith.muli %add3A_145, %mul3A_146 : i32
        %dma_start3A_148 = tpu.memref_slice %arg3[%mul3A_147] : memref<640000xi32, #tpu.memory_space<hbm>> -> memref<128xi32, #tpu.memory_space<hbm>>
        %dma_start3A_149 = tpu.memref_slice %arg3[%mul3A_147] : memref<640000xi32, #tpu.memory_space<hbm>> -> memref<128xi32, #tpu.memory_space<hbm>>
        tpu.enqueue_dma source(%dma_start3A_149 : memref<128xi32, #tpu.memory_space<hbm>>) target(%arg6 : memref<128xi32, #tpu.memory_space<vmem>>) target_semaphore(%arg16 : memref<!tpu.dma_semaphore, #tpu.memory_space<semaphore_mem>>)
      } else {
      }
      %dma_wait3A_109 = arith.constant 0 : i32
      %dma_wait3A_110 = tpu.memref_slice %arg3[%dma_wait3A_109] : memref<640000xi32, #tpu.memory_space<hbm>> -> memref<128xi32, #tpu.memory_space<hbm>>
      %dma_wait3A_111 = arith.constant 0 : i32
      %dma_wait3A_112 = tpu.memref_slice %arg3[%dma_wait3A_111] : memref<640000xi32, #tpu.memory_space<hbm>> -> memref<128xi32, #tpu.memory_space<hbm>>
      tpu.wait_dma2 semaphore(%arg18 : memref<!tpu.dma_semaphore, #tpu.memory_space<semaphore_mem>>) src(%dma_wait3A_112 : memref<128xi32, #tpu.memory_space<hbm>>) dst(%arg8 : memref<128xi32, #tpu.memory_space<vmem>>)
      %dma_start3A_113 = arith.constant 0 : i32
      %dma_start3A_114 = arith.constant 0 : i32
      %dma_start3A_115 = tpu.memref_slice %arg14[%dma_start3A_113, %dma_start3A_114] : memref<10240x128xf32, #tpu.memory_space<vmem_shared>> -> memref<10240x128xf32, #tpu.memory_space<vmem_shared>>
      tpu.enqueue_indirect_dma source(%arg11 : memref<128x128xf32, #tpu.memory_space<vmem>>) target(%dma_start3A_115 : memref<10240x128xf32, #tpu.memory_space<vmem_shared>>) offsets(%arg8 : memref<128xi32, #tpu.memory_space<vmem>>) semaphore(%arg22 : memref<!tpu.dma_semaphore, #tpu.memory_space<semaphore_mem>>) {add = true}
      %scan3A_116 = arith.constant 0 : i32
      %scan3A_117 = arith.constant 8 : i32
      %scan3A_118 = arith.addi %scan3A_116, %scan3A_117 : i32
      %scan3A_119 = arith.constant 1 : i32
      scf.for %scan3A_141 = %scan3A_116 to %scan3A_118 step %scan3A_119  : i32 {
        %mul3A_142 = arith.constant 16 : i32
        %mul3A_143 = arith.muli %scan3A_141, %mul3A_142 : i32
        %add3A_144 = arith.constant 0 : i32
        %add3A_145 = arith.addi %add3A_144, %mul3A_143 : i32
        %get3A = arith.index_cast %add3A_145 : i32 to index
        %get3A_146 = tpu.vector_load %arg8[%get3A] {strides = array<i32>} : memref<128xi32, #tpu.memory_space<vmem>>, vector<16xi32>,
        %shift_right_arithmetic3A = arith.constant 7 : i32
        %shift_right_arithmetic3A_147 = vector.broadcast %shift_right_arithmetic3A : i32 to vector<16xi32>
        %shift_right_arithmetic3A_148 = arith.shrsi %get3A_146, %shift_right_arithmetic3A_147 : vector<16xi32>
        %and3A = arith.constant 127 : i32
        %and3A_149 = vector.broadcast %and3A : i32 to vector<16xi32>
        %and3A_150 = arith.andi %get3A_146, %and3A_149 : vector<16xi32>
        tpu.vector_store_idx %arg13[%shift_right_arithmetic3A_148, %and3A_150], %broadcast_in_dim3A_48 {add = true} : memref<80x128xf32, #tpu.memory_space<vmem>>[vector<16xi32>, vector<16xi32>], vector<16xf32>,
      }
      %scan3A_120 = arith.constant 8 : i32
      %dma_wait3A_121 = arith.constant 0 : i32
      %dma_wait3A_122 = arith.constant 0 : i32
      %dma_wait3A_123 = tpu.memref_slice %arg2[%dma_wait3A_121, %dma_wait3A_122] : memref<10000x128xf32, #tpu.memory_space<hbm>> -> memref<10000x128xf32, #tpu.memory_space<hbm>>
      tpu.wait_indirect_dma semaphore(%arg21 : memref<!tpu.dma_semaphore, #tpu.memory_space<semaphore_mem>>) src(%dma_wait3A_123 : memref<10000x128xf32, #tpu.memory_space<hbm>>) dst(%arg12 : memref<128x128xf32, #tpu.memory_space<vmem>>)
      %lt3A_124 = arith.constant 38 : i32
      %lt3A_125 = arith.cmpi slt, %add3A_73, %lt3A_124 : i32
      %convert_element_type3A_126 = arith.extui %lt3A_125 : i1 to i32
      %cond3A_127 = arith.constant 0 : i32
      %cond3A_128 = arith.cmpi ne, %convert_element_type3A_126, %cond3A_127 : i32
      scf.if %cond3A_128 {
        %add3A_141 = arith.constant 2 : i32
        %add3A_142 = arith.addi %add3A_77, %add3A_141 : i32
        %mul3A_143 = arith.constant 32 : i32
        %mul3A_144 = arith.muli %add3A_142, %mul3A_143 : i32
        %add3A_145 = arith.addi %add3A, %mul3A_144 : i32
        %mul3A_146 = arith.constant 128 : i32
        %mul3A_147 = arith.muli %add3A_145, %mul3A_146 : i32
        %dma_start3A_148 = tpu.memref_slice %arg3[%mul3A_147] : memref<640000xi32, #tpu.memory_space<hbm>> -> memref<128xi32, #tpu.memory_space<hbm>>
        %dma_start3A_149 = tpu.memref_slice %arg3[%mul3A_147] : memref<640000xi32, #tpu.memory_space<hbm>> -> memref<128xi32, #tpu.memory_space<hbm>>
        tpu.enqueue_dma source(%dma_start3A_149 : memref<128xi32, #tpu.memory_space<hbm>>) target(%arg7 : memref<128xi32, #tpu.memory_space<vmem>>) target_semaphore(%arg17 : memref<!tpu.dma_semaphore, #tpu.memory_space<semaphore_mem>>)
      } else {
      }
      %dma_wait3A_129 = arith.constant 0 : i32
      %dma_wait3A_130 = tpu.memref_slice %arg3[%dma_wait3A_129] : memref<640000xi32, #tpu.memory_space<hbm>> -> memref<128xi32, #tpu.memory_space<hbm>>
      %dma_wait3A_131 = arith.constant 0 : i32
      %dma_wait3A_132 = tpu.memref_slice %arg3[%dma_wait3A_131] : memref<640000xi32, #tpu.memory_space<hbm>> -> memref<128xi32, #tpu.memory_space<hbm>>
      tpu.wait_dma2 semaphore(%arg19 : memref<!tpu.dma_semaphore, #tpu.memory_space<semaphore_mem>>) src(%dma_wait3A_132 : memref<128xi32, #tpu.memory_space<hbm>>) dst(%arg9 : memref<128xi32, #tpu.memory_space<vmem>>)
      %dma_start3A_133 = arith.constant 0 : i32
      %dma_start3A_134 = arith.constant 0 : i32
      %dma_start3A_135 = tpu.memref_slice %arg14[%dma_start3A_133, %dma_start3A_134] : memref<10240x128xf32, #tpu.memory_space<vmem_shared>> -> memref<10240x128xf32, #tpu.memory_space<vmem_shared>>
      tpu.enqueue_indirect_dma source(%arg12 : memref<128x128xf32, #tpu.memory_space<vmem>>) target(%dma_start3A_135 : memref<10240x128xf32, #tpu.memory_space<vmem_shared>>) offsets(%arg9 : memref<128xi32, #tpu.memory_space<vmem>>) semaphore(%arg23 : memref<!tpu.dma_semaphore, #tpu.memory_space<semaphore_mem>>) {add = true}
      %scan3A_136 = arith.constant 0 : i32
      %scan3A_137 = arith.constant 8 : i32
      %scan3A_138 = arith.addi %scan3A_136, %scan3A_137 : i32
      %scan3A_139 = arith.constant 1 : i32
      scf.for %scan3A_141 = %scan3A_136 to %scan3A_138 step %scan3A_139  : i32 {
        %mul3A_142 = arith.constant 16 : i32
        %mul3A_143 = arith.muli %scan3A_141, %mul3A_142 : i32
        %add3A_144 = arith.constant 0 : i32
        %add3A_145 = arith.addi %add3A_144, %mul3A_143 : i32
        %get3A = arith.index_cast %add3A_145 : i32 to index
        %get3A_146 = tpu.vector_load %arg9[%get3A] {strides = array<i32>} : memref<128xi32, #tpu.memory_space<vmem>>, vector<16xi32>,
        %shift_right_arithmetic3A = arith.constant 7 : i32
        %shift_right_arithmetic3A_147 = vector.broadcast %shift_right_arithmetic3A : i32 to vector<16xi32>
        %shift_right_arithmetic3A_148 = arith.shrsi %get3A_146, %shift_right_arithmetic3A_147 : vector<16xi32>
        %and3A = arith.constant 127 : i32
        %and3A_149 = vector.broadcast %and3A : i32 to vector<16xi32>
        %and3A_150 = arith.andi %get3A_146, %and3A_149 : vector<16xi32>
        tpu.vector_store_idx %arg13[%shift_right_arithmetic3A_148, %and3A_150], %broadcast_in_dim3A_48 {add = true} : memref<80x128xf32, #tpu.memory_space<vmem>>[vector<16xi32>, vector<16xi32>], vector<16xf32>,
      }
      %scan3A_140 = arith.constant 8 : i32
    }
    %scan3A_53 = arith.constant 39 : i32
    %dma_wait3A = arith.constant 0 : i32
    %dma_wait3A_54 = arith.constant 0 : i32
    %dma_wait3A_55 = tpu.memref_slice %arg14[%dma_wait3A, %dma_wait3A_54] : memref<10240x128xf32, #tpu.memory_space<vmem_shared>> -> memref<10240x128xf32, #tpu.memory_space<vmem_shared>>
    tpu.wait_indirect_dma semaphore(%arg22 : memref<!tpu.dma_semaphore, #tpu.memory_space<semaphore_mem>>) src(%arg11 : memref<128x128xf32, #tpu.memory_space<vmem>>) dst(%dma_wait3A_55 : memref<10240x128xf32, #tpu.memory_space<vmem_shared>>)
    %dma_wait3A_56 = arith.constant 0 : i32
    %dma_wait3A_57 = arith.constant 0 : i32
    %dma_wait3A_58 = tpu.memref_slice %arg14[%dma_wait3A_56, %dma_wait3A_57] : memref<10240x128xf32, #tpu.memory_space<vmem_shared>> -> memref<10240x128xf32, #tpu.memory_space<vmem_shared>>
    tpu.wait_indirect_dma semaphore(%arg23 : memref<!tpu.dma_semaphore, #tpu.memory_space<semaphore_mem>>) src(%arg12 : memref<128x128xf32, #tpu.memory_space<vmem>>) dst(%dma_wait3A_58 : memref<10240x128xf32, #tpu.memory_space<vmem_shared>>)
    %lt3A = arith.constant 4 : i32
    %lt3A_59 = arith.cmpi slt, %add3A, %lt3A : i32
    %convert_element_type3A_60 = arith.extui %lt3A_59 : i1 to i32
    %cond3A_61 = arith.constant 0 : i32
    %cond3A_62 = arith.cmpi ne, %convert_element_type3A_60, %cond3A_61 : i32
    scf.if %cond3A_62 {
      %add3A_69 = arith.constant 2496 : i32
      %add3A_70 = arith.addi %add3A_69, %add3A : i32
      %mul3A_71 = arith.constant 128 : i32
      %mul3A_72 = arith.muli %add3A_70, %mul3A_71 : i32
      "tpu.region"() ({
        %run_scoped3A = tpu.sem_alloc : memref<!tpu.dma_semaphore, #tpu.memory_space<semaphore_mem>>
        %dma_start3A_80 = tpu.memref_slice %arg3[%mul3A_72] : memref<640000xi32, #tpu.memory_space<hbm>> -> memref<128xi32, #tpu.memory_space<hbm>>
        %dma_start3A_81 = tpu.memref_slice %arg3[%mul3A_72] : memref<640000xi32, #tpu.memory_space<hbm>> -> memref<128xi32, #tpu.memory_space<hbm>>
        tpu.enqueue_dma source(%dma_start3A_81 : memref<128xi32, #tpu.memory_space<hbm>>) target(%arg6 : memref<128xi32, #tpu.memory_space<vmem>>) target_semaphore(%run_scoped3A : memref<!tpu.dma_semaphore, #tpu.memory_space<semaphore_mem>>)
        %dma_wait3A_82 = tpu.memref_slice %arg3[%mul3A_72] : memref<640000xi32, #tpu.memory_space<hbm>> -> memref<128xi32, #tpu.memory_space<hbm>>
        %dma_wait3A_83 = tpu.memref_slice %arg3[%mul3A_72] : memref<640000xi32, #tpu.memory_space<hbm>> -> memref<128xi32, #tpu.memory_space<hbm>>
        tpu.wait_dma2 semaphore(%run_scoped3A : memref<!tpu.dma_semaphore, #tpu.memory_space<semaphore_mem>>) src(%dma_wait3A_83 : memref<128xi32, #tpu.memory_space<hbm>>) dst(%arg6 : memref<128xi32, #tpu.memory_space<vmem>>)
        tpu.yield
      }) : () -> ()
      %add3A_73 = arith.constant 320000 : i32
      %add3A_74 = arith.addi %add3A_73, %mul3A_72 : i32
      "tpu.region"() ({
        %run_scoped3A = tpu.sem_alloc : memref<!tpu.dma_semaphore, #tpu.memory_space<semaphore_mem>>
        %dma_start3A_80 = tpu.memref_slice %arg3[%add3A_74] : memref<640000xi32, #tpu.memory_space<hbm>> -> memref<128xi32, #tpu.memory_space<hbm>>
        %dma_start3A_81 = tpu.memref_slice %arg3[%add3A_74] : memref<640000xi32, #tpu.memory_space<hbm>> -> memref<128xi32, #tpu.memory_space<hbm>>
        tpu.enqueue_dma source(%dma_start3A_81 : memref<128xi32, #tpu.memory_space<hbm>>) target(%arg8 : memref<128xi32, #tpu.memory_space<vmem>>) target_semaphore(%run_scoped3A : memref<!tpu.dma_semaphore, #tpu.memory_space<semaphore_mem>>)
        %dma_wait3A_82 = tpu.memref_slice %arg3[%add3A_74] : memref<640000xi32, #tpu.memory_space<hbm>> -> memref<128xi32, #tpu.memory_space<hbm>>
        %dma_wait3A_83 = tpu.memref_slice %arg3[%add3A_74] : memref<640000xi32, #tpu.memory_space<hbm>> -> memref<128xi32, #tpu.memory_space<hbm>>
        tpu.wait_dma2 semaphore(%run_scoped3A : memref<!tpu.dma_semaphore, #tpu.memory_space<semaphore_mem>>) src(%dma_wait3A_83 : memref<128xi32, #tpu.memory_space<hbm>>) dst(%arg8 : memref<128xi32, #tpu.memory_space<vmem>>)
        tpu.yield
      }) : () -> ()
      "tpu.region"() ({
        %run_scoped3A = tpu.sem_alloc : memref<!tpu.dma_semaphore, #tpu.memory_space<semaphore_mem>>
        %dma_start3A_80 = arith.constant 0 : i32
        %dma_start3A_81 = arith.constant 0 : i32
        %dma_start3A_82 = tpu.memref_slice %arg2[%dma_start3A_80, %dma_start3A_81] : memref<10000x128xf32, #tpu.memory_space<hbm>> -> memref<10000x128xf32, #tpu.memory_space<hbm>>
        tpu.enqueue_indirect_dma source(%dma_start3A_82 : memref<10000x128xf32, #tpu.memory_space<hbm>>) target(%arg11 : memref<128x128xf32, #tpu.memory_space<vmem>>) offsets(%arg6 : memref<128xi32, #tpu.memory_space<vmem>>) semaphore(%run_scoped3A : memref<!tpu.dma_semaphore, #tpu.memory_space<semaphore_mem>>)
        %dma_wait3A_83 = arith.constant 0 : i32
        %dma_wait3A_84 = arith.constant 0 : i32
        %dma_wait3A_85 = tpu.memref_slice %arg2[%dma_wait3A_83, %dma_wait3A_84] : memref<10000x128xf32, #tpu.memory_space<hbm>> -> memref<10000x128xf32, #tpu.memory_space<hbm>>
        tpu.wait_indirect_dma semaphore(%run_scoped3A : memref<!tpu.dma_semaphore, #tpu.memory_space<semaphore_mem>>) src(%dma_wait3A_85 : memref<10000x128xf32, #tpu.memory_space<hbm>>) dst(%arg11 : memref<128x128xf32, #tpu.memory_space<vmem>>)
        tpu.yield
      }) : () -> ()
      "tpu.region"() ({
        %run_scoped3A = tpu.sem_alloc : memref<!tpu.dma_semaphore, #tpu.memory_space<semaphore_mem>>
        %dma_start3A_80 = arith.constant 0 : i32
        %dma_start3A_81 = arith.constant 0 : i32
        %dma_start3A_82 = tpu.memref_slice %arg14[%dma_start3A_80, %dma_start3A_81] : memref<10240x128xf32, #tpu.memory_space<vmem_shared>> -> memref<10240x128xf32, #tpu.memory_space<vmem_shared>>
        tpu.enqueue_indirect_dma source(%arg11 : memref<128x128xf32, #tpu.memory_space<vmem>>) target(%dma_start3A_82 : memref<10240x128xf32, #tpu.memory_space<vmem_shared>>) offsets(%arg8 : memref<128xi32, #tpu.memory_space<vmem>>) semaphore(%run_scoped3A : memref<!tpu.dma_semaphore, #tpu.memory_space<semaphore_mem>>) {add = true}
        %dma_wait3A_83 = arith.constant 0 : i32
        %dma_wait3A_84 = arith.constant 0 : i32
        %dma_wait3A_85 = tpu.memref_slice %arg14[%dma_wait3A_83, %dma_wait3A_84] : memref<10240x128xf32, #tpu.memory_space<vmem_shared>> -> memref<10240x128xf32, #tpu.memory_space<vmem_shared>>
        tpu.wait_indirect_dma semaphore(%run_scoped3A : memref<!tpu.dma_semaphore, #tpu.memory_space<semaphore_mem>>) src(%arg11 : memref<128x128xf32, #tpu.memory_space<vmem>>) dst(%dma_wait3A_85 : memref<10240x128xf32, #tpu.memory_space<vmem_shared>>)
        tpu.yield
      }) : () -> ()
      %scan3A_75 = arith.constant 0 : i32
      %scan3A_76 = arith.constant 8 : i32
      %scan3A_77 = arith.addi %scan3A_75, %scan3A_76 : i32
      %scan3A_78 = arith.constant 1 : i32
      scf.for %scan3A_80 = %scan3A_75 to %scan3A_77 step %scan3A_78  : i32 {
        %mul3A_81 = arith.constant 16 : i32
        %mul3A_82 = arith.muli %scan3A_80, %mul3A_81 : i32
        %add3A_83 = arith.constant 0 : i32
        %add3A_84 = arith.addi %add3A_83, %mul3A_82 : i32
        %get3A = arith.index_cast %add3A_84 : i32 to index
        %get3A_85 = tpu.vector_load %arg8[%get3A] {strides = array<i32>} : memref<128xi32, #tpu.memory_space<vmem>>, vector<16xi32>,
        %shift_right_arithmetic3A = arith.constant 7 : i32
        %shift_right_arithmetic3A_86 = vector.broadcast %shift_right_arithmetic3A : i32 to vector<16xi32>
        %shift_right_arithmetic3A_87 = arith.shrsi %get3A_85, %shift_right_arithmetic3A_86 : vector<16xi32>
        %and3A = arith.constant 127 : i32
        %and3A_88 = vector.broadcast %and3A : i32 to vector<16xi32>
        %and3A_89 = arith.andi %get3A_85, %and3A_88 : vector<16xi32>
        tpu.vector_store_idx %arg13[%shift_right_arithmetic3A_87, %and3A_89], %broadcast_in_dim3A_48 {add = true} : memref<80x128xf32, #tpu.memory_space<vmem>>[vector<16xi32>, vector<16xi32>], vector<16xf32>,
      }
      %scan3A_79 = arith.constant 8 : i32
    } else {
    }
    "tpu.region"() ({
      %run_scoped3A = tpu.sem_alloc : memref<!tpu.dma_semaphore, #tpu.memory_space<semaphore_mem>>
      %dma_start3A_69 = arith.constant 0 : i32
      %dma_start3A_70 = arith.constant 0 : i32
      %dma_start3A_71 = tpu.memref_slice %arg15[%dma_start3A_69, %dma_start3A_70] : memref<80x128xf32, #tpu.memory_space<vmem_shared>> -> memref<80x128xf32, #tpu.memory_space<vmem_shared>>
      tpu.enqueue_indirect_dma source(%arg13 : memref<80x128xf32, #tpu.memory_space<vmem>>) target(%dma_start3A_71 : memref<80x128xf32, #tpu.memory_space<vmem_shared>>) offsets(%arg10 : memref<80xi32, #tpu.memory_space<vmem>>) semaphore(%run_scoped3A : memref<!tpu.dma_semaphore, #tpu.memory_space<semaphore_mem>>) {add = true}
      %dma_wait3A_72 = arith.constant 0 : i32
      %dma_wait3A_73 = arith.constant 0 : i32
      %dma_wait3A_74 = tpu.memref_slice %arg15[%dma_wait3A_72, %dma_wait3A_73] : memref<80x128xf32, #tpu.memory_space<vmem_shared>> -> memref<80x128xf32, #tpu.memory_space<vmem_shared>>
      tpu.wait_indirect_dma semaphore(%run_scoped3A : memref<!tpu.dma_semaphore, #tpu.memory_space<semaphore_mem>>) src(%arg13 : memref<80x128xf32, #tpu.memory_space<vmem>>) dst(%dma_wait3A_74 : memref<80x128xf32, #tpu.memory_space<vmem_shared>>)
      tpu.yield
    }) : () -> ()
    %barrier3A_63 = arith.constant 0 : index
    tpu.barrier barrier_id(%barrier3A_63)
    "tpu.region"() ({
      %run_scoped3A = tpu.sem_alloc : memref<!tpu.dma_semaphore, #tpu.memory_space<semaphore_mem>>
      %dma_start3A_69 = arith.constant 0 : i32
      %dma_start3A_70 = tpu.memref_slice %arg4[%arg0, %mul3A_2, %dma_start3A_69] : memref<2x10240x128xf32, #tpu.memory_space<hbm>> -> memref<1x640x128xf32, #tpu.memory_space<hbm>>
      %dma_start3A_71 = tpu.memref_squeeze %dma_start3A_70 : memref<1x640x128xf32, #tpu.memory_space<hbm>> -> memref<640x128xf32, #tpu.memory_space<hbm>>
      %dma_start3A_72 = arith.constant 0 : i32
      %dma_start3A_73 = tpu.memref_slice %arg14[%mul3A_2, %dma_start3A_72] : memref<10240x128xf32, #tpu.memory_space<vmem_shared>> -> memref<640x128xf32, #tpu.memory_space<vmem_shared>>
      tpu.enqueue_dma source(%dma_start3A_73 : memref<640x128xf32, #tpu.memory_space<vmem_shared>>) target(%dma_start3A_71 : memref<640x128xf32, #tpu.memory_space<hbm>>) target_semaphore(%run_scoped3A : memref<!tpu.dma_semaphore, #tpu.memory_space<semaphore_mem>>)
      %dma_wait3A_74 = arith.constant 0 : i32
      %dma_wait3A_75 = tpu.memref_slice %arg4[%arg0, %mul3A_2, %dma_wait3A_74] : memref<2x10240x128xf32, #tpu.memory_space<hbm>> -> memref<1x640x128xf32, #tpu.memory_space<hbm>>
      %dma_wait3A_76 = tpu.memref_squeeze %dma_wait3A_75 : memref<1x640x128xf32, #tpu.memory_space<hbm>> -> memref<640x128xf32, #tpu.memory_space<hbm>>
      %dma_wait3A_77 = arith.constant 0 : i32
      %dma_wait3A_78 = tpu.memref_slice %arg14[%mul3A_2, %dma_wait3A_77] : memref<10240x128xf32, #tpu.memory_space<vmem_shared>> -> memref<640x128xf32, #tpu.memory_space<vmem_shared>>
      tpu.wait_dma2 semaphore(%run_scoped3A : memref<!tpu.dma_semaphore, #tpu.memory_space<semaphore_mem>>) src(%dma_wait3A_78 : memref<640x128xf32, #tpu.memory_space<vmem_shared>>) dst(%dma_wait3A_76 : memref<640x128xf32, #tpu.memory_space<hbm>>)
      tpu.yield
    }) : () -> ()
    %eq3A_64 = arith.constant 0 : i32
    %eq3A_65 = arith.cmpi eq, %arg1, %eq3A_64 : i32
    %convert_element_type3A_66 = arith.extui %eq3A_65 : i1 to i32
    %cond3A_67 = arith.constant 0 : i32
    %cond3A_68 = arith.cmpi ne, %convert_element_type3A_66, %cond3A_67 : i32
    scf.if %cond3A_68 {
      "tpu.region"() ({
        %run_scoped3A = tpu.sem_alloc : memref<!tpu.dma_semaphore, #tpu.memory_space<semaphore_mem>>
        %dma_start3A_69 = arith.constant 0 : i32
        %dma_start3A_70 = arith.constant 0 : i32
        %dma_start3A_71 = tpu.memref_slice %arg5[%arg0, %dma_start3A_69, %dma_start3A_70] : memref<2x80x128xf32, #tpu.memory_space<hbm>> -> memref<1x80x128xf32, #tpu.memory_space<hbm>>
        %dma_start3A_72 = tpu.memref_squeeze %dma_start3A_71 : memref<1x80x128xf32, #tpu.memory_space<hbm>> -> memref<80x128xf32, #tpu.memory_space<hbm>>
        tpu.enqueue_dma source(%arg15 : memref<80x128xf32, #tpu.memory_space<vmem_shared>>) target(%dma_start3A_72 : memref<80x128xf32, #tpu.memory_space<hbm>>) target_semaphore(%run_scoped3A : memref<!tpu.dma_semaphore, #tpu.memory_space<semaphore_mem>>)
        %dma_wait3A_73 = arith.constant 0 : i32
        %dma_wait3A_74 = arith.constant 0 : i32
        %dma_wait3A_75 = tpu.memref_slice %arg5[%arg0, %dma_wait3A_73, %dma_wait3A_74] : memref<2x80x128xf32, #tpu.memory_space<hbm>> -> memref<1x80x128xf32, #tpu.memory_space<hbm>>
        %dma_wait3A_76 = tpu.memref_squeeze %dma_wait3A_75 : memref<1x80x128xf32, #tpu.memory_space<hbm>> -> memref<80x128xf32, #tpu.memory_space<hbm>>
        tpu.wait_dma2 semaphore(%run_scoped3A : memref<!tpu.dma_semaphore, #tpu.memory_space<semaphore_mem>>) src(%arg15 : memref<80x128xf32, #tpu.memory_space<vmem_shared>>) dst(%dma_wait3A_76 : memref<80x128xf32, #tpu.memory_space<hbm>>)
        tpu.yield
      }) : () -> ()
    } else {
    }
    return
  }
}

module attributes {stable_mosaic.version = 14 : i64} {
  func.func @body(%arg0: memref<10000x128xf32, #tpu.memory_space<vmem>>, %arg1: memref<128x128xf32, #tpu.memory_space<vmem>>, %arg2: memref<1x128xf32, #tpu.memory_space<vmem>>, %arg3: memref<10000x128xf32, #tpu.memory_space<vmem>>) attributes {dimension_semantics = [], scalar_prefetch = 0 : i64, scratch_operands = 0 : i64, tpu.core_type = #tpu.core_type<tc>} {
    %get3A = arith.constant 0 : index
    %get3A_0 = arith.constant 0 : index
    %get3A_1 = vector.load %arg0[%get3A, %get3A_0] : memref<10000x128xf32, #tpu.memory_space<vmem>>, vector<10000x128xf32>
    %get3A_2 = arith.constant 0 : index
    %get3A_3 = arith.constant 0 : index
    %get3A_4 = vector.load %arg1[%get3A_2, %get3A_3] : memref<128x128xf32, #tpu.memory_space<vmem>>, vector<128x128xf32>
    %dot_general3A = arith.constant dense<0.000000e+00> : vector<10000x128xf32>
    %dot_general3A_5 = tpu.matmul %get3A_1, %get3A_4, %dot_general3A {dimension_numbers = #tpu.dot_dimension_numbers<[1], [0], [0], [1], [0, 0, 1, 1], [], []>, transpose_lhs_hint = false} : vector<10000x128xf32>, vector<128x128xf32>, vector<10000x128xf32> -> vector<10000x128xf32>
    %get3A_6 = arith.constant 0 : index
    %get3A_7 = arith.constant 0 : index
    %get3A_8 = vector.load %arg2[%get3A_6, %get3A_7] : memref<1x128xf32, #tpu.memory_space<vmem>>, vector<1x128xf32>
    %add3A = vector.broadcast %get3A_8 : vector<1x128xf32> to vector<10000x128xf32>
    %add3A_9 = arith.addf %dot_general3A_5, %add3A : vector<10000x128xf32>
    %swap3A = arith.constant 0 : index
    %swap3A_10 = arith.constant 0 : index
    %swap3A_11 = vector.load %arg3[%swap3A, %swap3A_10] : memref<10000x128xf32, #tpu.memory_space<vmem>>, vector<10000x128xf32>
    tpu.vector_store %arg3[%swap3A, %swap3A_10], %add3A_9 {strides = array<i32>} : memref<10000x128xf32, #tpu.memory_space<vmem>>, vector<10000x128xf32>,
    return
  }
}

module attributes {stable_mosaic.version = 14 : i64} {
  func.func @body(%arg0: memref<2x10240x128xf32, #tpu.memory_space<vmem>>, %arg1: memref<10000x1xf32, #tpu.memory_space<vmem>>, %arg2: memref<10000x128xf32, #tpu.memory_space<vmem>>, %arg3: memref<128x128xf32, #tpu.memory_space<vmem>>, %arg4: memref<128x1xf32, #tpu.memory_space<vmem>>, %arg5: memref<1x1xf32, #tpu.memory_space<vmem>>, %arg6: memref<10000x1xf32, #tpu.memory_space<vmem>>) attributes {dimension_semantics = [], scalar_prefetch = 0 : i64, scratch_operands = 0 : i64, tpu.core_type = #tpu.core_type<tc>} {
    %get3A = arith.constant 0 : index
    %get3A_0 = arith.constant 0 : index
    %get3A_1 = arith.constant 0 : index
    %get3A_2 = vector.load %arg0[%get3A, %get3A_0, %get3A_1] : memref<2x10240x128xf32, #tpu.memory_space<vmem>>, vector<1x10000x128xf32>
    %get3A_3 = vector.shape_cast %get3A_2 : vector<1x10000x128xf32> to vector<10000x128xf32>
    %get3A_4 = arith.constant 1 : index
    %get3A_5 = arith.constant 0 : index
    %get3A_6 = arith.constant 0 : index
    %get3A_7 = vector.load %arg0[%get3A_4, %get3A_5, %get3A_6] : memref<2x10240x128xf32, #tpu.memory_space<vmem>>, vector<1x10000x128xf32>
    %get3A_8 = vector.shape_cast %get3A_7 : vector<1x10000x128xf32> to vector<10000x128xf32>
    %add3A = arith.addf %get3A_3, %get3A_8 : vector<10000x128xf32>
    %get3A_9 = arith.constant 0 : index
    %get3A_10 = arith.constant 0 : index
    %get3A_11 = vector.load %arg1[%get3A_9, %get3A_10] : memref<10000x1xf32, #tpu.memory_space<vmem>>, vector<10000x1xf32>
    %max3A = arith.constant 1.000000e+00 : f32
    %max3A_12 = vector.broadcast %max3A : f32 to vector<10000x1xf32>
    %max3A_13 = arith.maximumf %get3A_11, %max3A_12 : vector<10000x1xf32>
    %div3A = vector.broadcast %max3A_13 : vector<10000x1xf32> to vector<10000x128xf32>
    %div3A_14 = arith.divf %add3A, %div3A : vector<10000x128xf32>
    %get3A_15 = arith.constant 0 : index
    %get3A_16 = arith.constant 0 : index
    %get3A_17 = vector.load %arg3[%get3A_15, %get3A_16] : memref<128x128xf32, #tpu.memory_space<vmem>>, vector<128x128xf32>
    %dot_general3A = arith.constant dense<0.000000e+00> : vector<10000x128xf32>
    %dot_general3A_18 = tpu.matmul %div3A_14, %get3A_17, %dot_general3A {dimension_numbers = #tpu.dot_dimension_numbers<[1], [0], [0], [1], [0, 0, 1, 1], [], []>, transpose_lhs_hint = false} : vector<10000x128xf32>, vector<128x128xf32>, vector<10000x128xf32> -> vector<10000x128xf32>
    %get3A_19 = arith.constant 0 : index
    %get3A_20 = arith.constant 0 : index
    %get3A_21 = vector.load %arg2[%get3A_19, %get3A_20] : memref<10000x128xf32, #tpu.memory_space<vmem>>, vector<10000x128xf32>
    %add3A_22 = arith.addf %dot_general3A_18, %get3A_21 : vector<10000x128xf32>
    %max3A_23 = arith.constant 0.000000e+00 : f32
    %max3A_24 = vector.broadcast %max3A_23 : f32 to vector<10000x128xf32>
    %max3A_25 = arith.maximumf %add3A_22, %max3A_24 : vector<10000x128xf32>
    %get3A_26 = arith.constant 0 : index
    %get3A_27 = arith.constant 0 : index
    %get3A_28 = vector.load %arg4[%get3A_26, %get3A_27] : memref<128x1xf32, #tpu.memory_space<vmem>>, vector<128x1xf32>
    %dot_general3A_29 = arith.constant dense<0.000000e+00> : vector<10000x1xf32>
    %dot_general3A_30 = tpu.matmul %max3A_25, %get3A_28, %dot_general3A_29 {dimension_numbers = #tpu.dot_dimension_numbers<[1], [0], [0], [1], [0, 0, 1, 1], [], []>, transpose_lhs_hint = false} : vector<10000x128xf32>, vector<128x1xf32>, vector<10000x1xf32> -> vector<10000x1xf32>
    %get3A_31 = arith.constant 0 : index
    %get3A_32 = arith.constant 0 : index
    %get3A_33 = vector.load %arg5[%get3A_31, %get3A_32] : memref<1x1xf32, #tpu.memory_space<vmem>>, vector<1x1xf32>
    %add3A_34 = vector.broadcast %get3A_33 : vector<1x1xf32> to vector<10000x1xf32>
    %add3A_35 = arith.addf %dot_general3A_30, %add3A_34 : vector<10000x1xf32>
    %swap3A = arith.constant 0 : index
    %swap3A_36 = arith.constant 0 : index
    %swap3A_37 = vector.load %arg6[%swap3A, %swap3A_36] : memref<10000x1xf32, #tpu.memory_space<vmem>>, vector<10000x1xf32>
    tpu.vector_store %arg6[%swap3A, %swap3A_36], %add3A_35 {strides = array<i32>} : memref<10000x1xf32, #tpu.memory_space<vmem>>, vector<10000x1xf32>,
    return
  }
}

</mosaic_0001>

<sc_bundles>
// kernel: kernel.5.cloned.1.call-start
scs
__scs_entry_jumppad:
0x0: {  	(pc) =	sbr.rel $0x88, $3  }
0x1: {  	(tag) =	ssettag $0x0;
	lr =	simm.s32 $0x1  }
0x2: {  	[smem:$0x3F9A] =	sst lr;
	_ =	strace $0xD0000000  }
0x3: {  	_ = 	snop  }
0x4: {  	_ = 	snop  }
0x5: {  	_ = 	snop  }
0x6: {  	_ = 	snop  }
0x7: {  	_ = 	snop  }
__scs_overlays_trampoline_lowered:
0x8: {  	[smem:$0x3FA9] =	sst s0  }
0x9: {  	[smem:$0x3FAA] =	sst s1  }
0xa: {  	[smem:$0x3FAB] =	sst s2  }
0xb: {  	[smem:$0x3FAC] =	sst s3  }
0xc: {  	[smem:$0x3FAD] =	sst s4  }
0xd: {  	[smem:$0x3FAE] =	sst s5  }
0xe: {  	[smem:$0x3FAF] =	sst s6  }
0xf: {  	[smem:$0x3FB0] =	sst s7  }
0x10: {  	[smem:$0x3FB1] =	sst s8  }
0x11: {  	[smem:$0x3FB2] =	sst s9;
	s0 =	simm.s32 @!p0 $0x0  }
0x12: {  	s1 =	sld [smem:$0x3F98];
	s0 =	simm.s32 @p0 $0x1  }
0x13: {  	[smem:$0x3FB3] =	sst s0;
	s0 =	simm.s32 @!p1 $0x0  }
0x14: {  	s2 =	sld [smem:$0x3F97];
	s0 =	simm.s32 @p1 $0x1  }
0x15: {  	[smem:$0x3FB4] =	sst s0;
	s0 =	simm.s32 @!p2 $0x0  }
0x16: {  	s3 =	sld [smem:$0x3FDB];
	s0 =	simm.s32 @p2 $0x1  }
0x17: {  	s4 =	simm.s32 $0x1BF5;
	[smem:$0x3FB6] =	sst s0  }
0x18: {  	s0 =	sld [smem:$0x3F99];
	_ =	swait.ge [sflag:s4], $0x0  }
0x19: {  	s7 =	sld [smem:$0x3F9A]  }
0x1a: {  	s8 =	sadd.s32 $0xFFFFE003, lr  }
0x1b: {  	s9 =	sadd.s32 $0xFFFFFEF7, lr;
	s5 =	simm.s32 $0xFFFFFFFF;
	p2 =	slt.u32 s8, $0xFFFFF086  }
0x1c: {  	p1 =	slt.u32 s9, $0xF7A;
	s5 =	simm.s32 @!p2 $0x0  }
0x1d: {  	s5 =	simm.s32 @p1 $0x1;
	p0 =	seq.s32 s7, s2  }
0x1e: {  	s7 =	smul.u32 @!p0 $0xF7A, s2;
	p2 =	seq.s32 @!p0 s5, $0x0  }
0x1f: {  	s9 =	smul.u32 $0xF7A, s1;
	s8 =	simm.s32 @!p0 $0x1BF5;
	p2 =	por !p2, p0  }
0x20: {  	[sflag:s8] =	ssyncset.s32 @!p0 $0xFFFFF086;
	s6 =	sadd.s32 @!p0 s3, s7;
	s7 =	simm.s32 @!p0 $0x108  }
0x21: {  	s3 =	sadd.s32 s3, s9;
	s6 =	sadd.s32 @!p0 $0x88, s6;
	s7 =	simm.s32 @p2 $0x1082  }
0x22: {  	[simem:s7], [sflag:s8] =	dma.local @!p0 [hbm:s6], $0xF7A  }
0x23: {  	s9 =	sor.u32 $0xD0000000, s2;
	s6 =	simm.s32 $0x108;
	_ =	swait.ge @!p0 [sflag:s8], $0x0  }
0x24: {  	s3 =	sadd.s32 $0x88, s3;
	s6 =	simm.s32 @!p1 $0x1082;
	[sflag:s4] =	ssyncset.s32 $0xFFFFF086  }
0x25: {  	[simem:s6], [sflag:s4] =	dma.local [hbm:s3], $0xF7A  }
0x26: {  	[smem:$0x3F9A] =	sst s1;
	(tag) =	ssettag s2;
	_ =	strace s9  }
0x27: {  	s1 =	sld [smem:$0x3FAA]  }
0x28: {  	s2 =	sld [smem:$0x3FAB]  }
0x29: {  	s4 =	sld [smem:$0x3FAD]  }
0x2a: {  	p0 =	seq.s32 s5, $0x0;
	s5 =	sld [smem:$0x3FAE]  }
0x2b: {  	s6 =	sld [smem:$0x3FAF]  }
0x2c: {  	s7 =	sld [smem:$0x3FB0]  }
0x2d: {  	s3 =	simm.s32 $0x108;
	s8 =	sld [smem:$0x3FB1]  }
0x2e: {  	s3 =	simm.s32 @!p0 $0x1082;
	s9 =	sld [smem:$0x3FB2]  }
0x2f: {  	lr =	sadd.s32 s0, s3;
	s0 =	sld [smem:$0x3FA9]  }
0x30: {  	s3 =	sld [smem:$0x3FAC]  }
0x31: {  	[smem:$0x3FB5] =	sst s10  }
0x32: {  	s10 =	sld [smem:$0x3FB3];
	_ =	sdelay $0x3  }
0x33: {  	p0 =	seq.s32 s10, $0x1;
	s10 =	sld [smem:$0x3FB5];
	_ =	sdelay $0x3  }
0x34: {  	[smem:$0x3FB5] =	sst s10  }
0x35: {  	s10 =	sld [smem:$0x3FB4];
	_ =	sdelay $0x3  }
0x36: {  	p1 =	seq.s32 s10, $0x1;
	s10 =	sld [smem:$0x3FB5];
	_ =	sdelay $0x3  }
0x37: {  	[smem:$0x3FB5] =	sst s10  }
0x38: {  	s10 =	sld [smem:$0x3FB6]  }
0x39: {  	_ = 	snop;
	(pc) =	sbr.ind lr, $3  }
0x3a: {  	_ = 	snop  }
0x3b: {  	_ = 	snop  }
0x3c: {  	p2 =	seq.s32 s10, $0x1;
	s10 =	sld [smem:$0x3FB5]  }
0x3d: {  	_ =	shalt  }
0x3e: {  	_ =	shalt  }
0x3f: {  	_ =	shalt  }
0x40: {  	_ =	shalt  }
0x41: {  	_ =	shalt  }
0x42: {  	_ =	shalt  }
0x43: {  	_ =	shalt  }
0x44: {  	_ =	shalt  }
0x45: {  	_ =	shalt  }
0x46: {  	_ =	shalt  }
0x47: {  	_ =	shalt  }
0x48: {  	_ =	shalt  }
0x49: {  	_ =	shalt  }
0x4a: {  	_ =	shalt  }
0x4b: {  	_ =	shalt  }
0x4c: {  	_ =	shalt  }
0x4d: {  	_ =	shalt  }
0x4e: {  	_ =	shalt  }
0x4f: {  	_ =	shalt  }
0x50: {  	_ =	shalt  }
0x51: {  	_ =	shalt  }
0x52: {  	_ =	shalt  }
0x53: {  	_ =	shalt  }
0x54: {  	_ =	shalt  }
0x55: {  	_ =	shalt  }
0x56: {  	_ =	shalt  }
0x57: {  	_ =	shalt  }
0x58: {  	_ =	shalt  }
0x59: {  	_ =	shalt  }
0x5a: {  	_ =	shalt  }
0x5b: {  	_ =	shalt  }
0x5c: {  	_ =	shalt  }
0x5d: {  	_ =	shalt  }
0x5e: {  	_ =	shalt  }
0x5f: {  	_ =	shalt  }
0x60: {  	_ =	shalt  }
0x61: {  	_ =	shalt  }
0x62: {  	_ =	shalt  }
0x63: {  	_ =	shalt  }
0x64: {  	_ =	shalt  }
0x65: {  	_ =	shalt  }
0x66: {  	_ =	shalt  }
0x67: {  	_ =	shalt  }
0x68: {  	_ =	shalt  }
0x69: {  	_ =	shalt  }
0x6a: {  	_ =	shalt  }
0x6b: {  	_ =	shalt  }
0x6c: {  	_ =	shalt  }
0x6d: {  	_ =	shalt  }
0x6e: {  	_ =	shalt  }
0x6f: {  	_ =	shalt  }
0x70: {  	_ =	shalt  }
0x71: {  	_ =	shalt  }
0x72: {  	_ =	shalt  }
0x73: {  	_ =	shalt  }
0x74: {  	_ =	shalt  }
0x75: {  	_ =	shalt  }
0x76: {  	_ =	shalt  }
0x77: {  	_ =	shalt  }
0x78: {  	_ =	shalt  }
0x79: {  	_ =	shalt  }
0x7a: {  	_ =	shalt  }
0x7b: {  	_ =	shalt  }
0x7c: {  	_ =	shalt  }
0x7d: {  	_ =	shalt  }
0x7e: {  	_ =	shalt  }
0x7f: {  	_ =	shalt  }
0x80: {  	_ =	shalt  }
0x81: {  	_ =	shalt  }
0x82: {  	_ =	shalt  }
0x83: {  	_ =	shalt  }
0x84: {  	_ =	shalt  }
0x85: {  	_ =	shalt  }
0x86: {  	_ =	shalt  }
0x87: {  	_ =	shalt  }
.Lfunc_end0:
.L_simem_size_0:
called_computation_lowered:
.L_overlay_start_0:
0x88: {  	s2 =	sld [smem:$0x3FD9]  }
0x89: {  	s3 =	sld [smem:$0x3FFE];
	_ =	sdelay $0x1  }
0x8a: {  	s1 =	srdreg.scid  }
0x8b: {  	s0 =	sand.u32 $0x1, s1  }
0x8c: {  	s17 =	sshll.u32 s0, $0xA;
	s2 =	sadd.s32 s3, s2  }
0x8d: {  	s2 =	sadd.s32 s2, s17  }
0x8e: {  	[smem:$0x3FC1] =	sst s2  }
0x8f: {  	_ = 	snop  }
0x90: {  	s2 =	sld [smem:$0x3FC9];
	(tm) =	ssettm $0x1  }
0x91: {  	s18 =	sld [smem:$0x3FFB];
	_ =	sdelay $0x3  }
0x92: {  	_ =	strace s18  }
0x93: {  	s3 =	sld [smem:$0x3FFC];
	_ =	sdelay $0x3  }
0x94: {  	_ =	strace s3  }
0x95: {  	s3 =	sld [smem:$0x3FFD];
	_ =	sdelay $0x3  }
0x96: {  	_ =	strace s3  }
0x97: {  	_ =	strace $0x8FFFFFFF  }
0x98: {  	s19 =	sld [smem:$0x3FDB];
	_ =	sdelay $0x1  }
0x99: {  	s4 =	simm.s32 $_scs_section_size  }
0x9a: {  	s5 =	simm.s32 $_size__tile_overlayer_lowered;
	s6 =	simm.s32 $_tile_overlayer_lowered  }
0x9b: {  	s22 =	simm.s32 $0x1BFF;
	s21 =	sshll.u32 s6, $0x1;
	s3 =	sadd.s32 s4, s19  }
0x9c: {  	s7 =	simm.s32 $0x0;
	s20 =	sshll.u32 s5, $0x1;
	s5 =	sadd.s32 s21, s3  }
0x9d: {  	[timem:s7], [sflag:s22] =	dma.local [hbm:s5], s20  }
0x9e: {  	_ =	swait.ge [sflag:s22], s20  }
0x9f: {  	s4 =	ssub.s32 $0x0, s20;
	[sflag:s22] =	ssyncset.done $0x0  }
0xa0: {  	[sflag:s22] =	ssyncadd.s32 s4;
	_ =	sdelay $0x1  }
0xa1: {  	s23 =	simm.s32 $0x1B8B  }
0xa2: {  	_ =	swait.ge [sflag:s23], $0x1  }
0xa3: {  	[sflag:s23] =	ssyncset.done $0x0  }
0xa4: {  	s25 =	simm.s32 $0x1B8E;
	s24 =	sld [smem:$0x3FFE];
	[sflag:s23] =	ssyncadd.s32 $0xFFFFFFFF  }
0xa5: {  	s26 =	simm.s32 $execute0_lowered;
	[smem:$0x3FD2] =	sst s25  }
0xa6: {  	s5 =	sshll.u32 s26, $0x1;
	_ =	strace $0x80000046;
	[dreg:$0x1] =	wrdreg $0xFFFFFFFF  }
0xa7: {  	s28 =	simm.s32 $_size_execute0_lowered;
	s3 =	sadd.s32 s3, s5;
	[dreg:$0x0] =	wrdreg $0x0  }
0xa8: {  	s5 =	sshll.u32 s28, $0x1;
	[dreg:$0x2] =	wrdreg s3  }
0xa9: {  	[dreg:$0x3] =	wrdreg s5  }
0xaa: {  	[dreg:$0x4] =	wrdreg $0xC0  }
0xab: {  	_ =	task [dreg:s7], $0x5FFFF  }
0xac: {  	[dreg:$0x1] =	wrdreg $0xFFFFFFFF  }
0xad: {  	[dreg:$0x0] =	wrdreg $0x60  }
0xae: {  	[dreg:$0x2] =	wrdreg s2  }
0xaf: {  	[dreg:$0x3] =	wrdreg s24  }
0xb0: {  	[dreg:$0x4] =	wrdreg $0xAA800  }
0xb1: {  	[dreg:$0x5] =	wrdreg $0x1EA800  }
0xb2: {  	[dreg:$0x6] =	wrdreg $0x9  }
0xb3: {  	_ =	task.clear_ibuf [dreg:s7], $0x7FFFF;
	_ =	strace $0x90000046  }
0xb4: {  	s29 =	simm.s32 $0x9;
	_ =	strace $0x80000048  }
0xb5: {  	_ =	swait.ge [sflag:s29], $0x1  }
0xb6: {  	[sflag:s29] =	ssyncadd.s32 $0xFFFFFFFF  }
0xb7: {  	_ =	strace $0x90000048  }
0xb8: {  	_ =	sfence  }
0xb9: {  	s30 =	sld [smem:$0x0];
	_ =	sdelay $0x2  }
0xba: {  	s31 =	sshll.u32 s1, $0xD;
	s1 =	sshrl.u32 s1, $0x2  }
0xbb: {  	s3 =	sand.u32 $0x4000, s31;
	s1 =	sadd.s32 s1, s30  }
0xbc: {  	s0 =	sor.u32 s3, s0;
	s1 =	sshll.u32 s1, $0x11  }
0xbd: {  	s0 =	sor.u32 s1, s0  }
0xbe: {  	s0 =	sadd.s32 $0x8F2B, s0  }
0xbf: {  	[sflag:s0] =	ssyncadd.remote.s32 $0x1  }
0xc0: {  	_ =	sfence.sel $0xFFFF  }
0xc1: {  	[dreg:$0x0] =	wrdreg $0xFFFFFFFF;
	(pc) =	sbr.abs _section_cstart, $3  }
0xc2: {  	[dreg:$0x1] =	wrdreg $0xFFFFFFFF  }
0xc3: {  	_ =	task.clear_ibuf [dreg:s7], $0x2FFFF;
	_ =	strace $0x9FFFFFFF  }
0xc4: {  	(tm) =	ssettm $0x7FFFFFFF  }
0xc5: {  	_ =	shalt  }
tec
execute0_lowered:
.L_overlay_start_1:
0x0: {  	(tag) =	ssettag $0x1  }
0x1: {  	s0 =	rddreg [dreg:$0x0]  }
0x2: {  	s2 =	rddreg [dreg:$0x1]  }
0x3: {  	s3 =	srdreg.scid;
	s1 =	rddreg [dreg:$0x2]  }
0x4: {  	s12 =	stileid.u32;
	s4 =	rddreg [dreg:$0x3];
	s5 =	simm.s32 $0x0  }
0x5: {  	s26 =	simm.s32 $0x280;
	s28 =	simm.s32 $0x8280;
	s29 =	simm.s32 $0x9  }
0x6: {  	s30 =	simm.s32 $0x2;
	s31 =	simm.s32 $0x4280;
	s3 =	sand.u32 $0x1, s3  }
0x7: {  	s7 =	smul.u32 $0x14000, s12;
	[smem:$0x7FF] =	sst s5;
	s14 =	sadd.s32 $0x1800, s2  }
0x8: {  	s10 =	sshll.u32 s12, $0x5;
	s17 =	smul.u32 $0x50000, s12;
	p0 =	sne.s32 s12, $0x0  }
0x9: {  	p1 =	sgt.u32 s12, $0x1;
	s6 =	smul.u32 $0x140000, s3;
	_ =	strace $0x80000047  }
0xa: {  	s15 =	smul.u32 $0x500, s3;
	s9 =	ssub.s32 $0x2, s3;
	s3 =	sshll.u32 s3, $0x4  }
0xb: {  	[dreg:$0x5] =	wrdreg s26;
	s16 =	sshrl.u32 s9, $0x1;
	s6 =	sadd.s32 s7, s6  }
0xc: {  	s11 =	sor.u32 s3, s10;
	s9 =	ssub.s32 s9, s16;
	s6 =	sshrl.u32 s6, $0x3  }
0xd: {  	s22 =	smax.u32 s9, $0x1;
	s8 =	sadd.s32 s6, s2;
	s6 =	sadd.s32 s14, s11  }
0xe: {  	s25 =	sadd.s32 s10, s14;
	[dreg:$0xd] =	wrdreg s22;
	s13 =	sadd.s32 $0x9C40, s6  }
0xf: {  	s26 =	simm.s32 $0x180;
	s18 =	sadd.s32 $0x200, s6;
	[dreg:$0x6] =	wrdreg s13  }
0x10: {  	s10 =	simm.s32 $0x8;
	s19 =	sadd.s32 $0x9E40, s6;
	[dreg:$0x7] =	wrdreg s18  }
0x11: {  	s7 =	simm.s32 $0x6;
	s20 =	sadd.s32 $0x9C00, s6;
	[dreg:$0x8] =	wrdreg s19  }
0x12: {  	s9 =	simm.s32 $0x7;
	s21 =	sadd.s32 $0x13840, s6;
	[dreg:$0x9] =	wrdreg s20  }
0x13: {  	s2 =	sadd.s32 s15, s2;
	s8 =	sadd.s32 $0x15C00, s8;
	[dreg:$0xa] =	wrdreg s21  }
0x14: {  	s11 =	sshrl.u32 s17, $0x2;
	s2 =	sadd.s32 $0x15200, s2;
	[dreg:$0xb] =	wrdreg s8  }
0x15: {  	s13 =	sadd.s32 s11, s1;
	[dreg:$0xc] =	wrdreg s2;
	s2 =	simm.s32 $0x5  }
0x16: {  	s8 =	simm.s32 $0x4;
	s11 =	simm.s32 $0x0;
	s23 =	sadd.s32 $0x2800, s13  }
0x17: {  	s24 =	sadd.s32 $0x5000, s13;
	s18 =	sadd.s32 $0x7800, s13;
	s19 =	sadd.s32 $0xA000, s13  }
0x18: {  	v0 =	vlaneseq.u32;
	s20 =	sadd.s32 $0xC800, s13;
	s21 =	sadd.s32 $0xF000, s13;
	[dreg:$0xe] =	wrdreg s23  }
0x19: {  	v5 =	vimm.f32 $0.0e+00;
	v6 =	vimm.f32 $1.000000000e+00;
	v1 =	vor.u32 $0x10, v0;
	s22 =	sadd.s32 $0x11800, s13;
	[dreg:$0xf] =	wrdreg s24;
	s23 =	sadd.s32 s3, s25  }
0x1a: {  	v2 =	vor.u32 $0x20, v0;
	v3 =	vor.u32 $0x30, v0;
	v4 =	vor.u32 $0x40, v0;
	s24 =	simm.s32 $0x100;
	s25 =	simm.s32 $0x80;
	s3 =	simm.s32 $0x3  }
.LBB2_1:
0x1b: {  	[tilespmem:s5], [sflag:$0x1] =	stream.linear.gather [hbm4b:s6+s5], $0x80, $0x38;
	[tilespmem:$0x1ED00] =	vst v63  }
0x1c: {  	s12 =	rddreg [dreg:$0x6]  }
0x1d: {  	[tilespmem:s24], [sflag:$0x3] =	stream.linear.gather [hbm4b:s12+s5], $0x80, $0x38;
	[tilespmem:$0x1ED00] =	vst v63  }
0x1e: {  	s16 =	rddreg [dreg:$0x7]  }
0x1f: {  	[tilespmem:s25], [sflag:$0x2] =	stream.linear.gather [hbm4b:s16+s5], $0x80, $0x38;
	[tilespmem:$0x1ED00] =	vst v63  }
0x20: {  	s17 =	rddreg [dreg:$0x8]  }
0x21: {  	[tilespmem:s26], [sflag:$0x4] =	stream.linear.gather [hbm4b:s17+s5], $0x80, $0x38;
	[tilespmem:$0x1ED00] =	vst v63  }
0x22: {  	[tilespmem:$0x200] =	vst v0  }
0x23: {  	[tilespmem:$0x210] =	vst v1  }
0x24: {  	[tilespmem:$0x220] =	vst v2  }
0x25: {  	[tilespmem:$0x230] =	vst v3  }
0x26: {  	s14 =	simm.s32 $0x3C0;
	s12 =	simm.s32 $0x70;
	[tilespmem:$0x240] =	vst v4  }
.LBB2_2:
0x27: {  	p2 =	sne.s32 s14, $0x9FC0;
	[tilespmem:s12+$0x8280] =	vst v5  }
0x28: {  	[tilespmem:s12+$0x8210] =	vst v5  }
0x29: {  	[tilespmem:s12+$0x8220] =	vst v5  }
.Ltmp0:
0x2a: {  	[tilespmem:s12+$0x8230] =	vst v5;
	(pc) =	sbr.rel @p2 .LBB2_2-.Ltmp0, $4  }
0x2b: {  	[tilespmem:s12+$0x8240] =	vst v5  }
0x2c: {  	[tilespmem:s12+$0x8250] =	vst v5  }
0x2d: {  	[tilespmem:s12+$0x8260] =	vst v5  }
0x2e: {  	[tilespmem:s12+$0x8270] =	vst v5;
	s12 =	sshra.s32 s14, $0x2;
	s14 =	sadd.s32 $0x200, s14  }
0x2f: {  	[tilespmem:s12+$0x8280] =	vst v5  }
0x30: {  	[tilespmem:s12+$0x8210] =	vst v5  }
0x31: {  	[tilespmem:s12+$0x8220] =	vst v5  }
0x32: {  	[tilespmem:s12+$0x8230] =	vst v5  }
0x33: {  	[tilespmem:s12+$0x8240] =	vst v5  }
0x34: {  	[tilespmem:s12+$0x8250] =	vst v5  }
0x35: {  	[tilespmem:s12+$0x8260] =	vst v5  }
0x36: {  	[tilespmem:s12+$0x8270] =	vst v5  }
0x37: {  	[spmem:s13] =	stream.linear.scatter [tilespmem:s28], [sflag:$0x9], $0x2800, $0x38;
	[tilespmem:$0x1ED00] =	vst v63  }
0x38: {  	_ =	swait.ge [sflag:s29], $0x2800  }
0x39: {  	[sflag:s29] =	ssyncset.done $0x0  }
0x3a: {  	s16 =	rddreg [dreg:$0xe];
	[sflag:s29] =	ssyncadd.s32 $0xFFFFD800  }
0x3b: {  	[spmem:s16] =	stream.linear.scatter [tilespmem:s28], [sflag:$0x9], $0x2800, $0x38;
	[tilespmem:$0x1ED00] =	vst v63  }
0x3c: {  	_ =	swait.ge [sflag:s29], $0x2800  }
0x3d: {  	[sflag:s29] =	ssyncset.done $0x0  }
0x3e: {  	s17 =	rddreg [dreg:$0xf];
	[sflag:s29] =	ssyncadd.s32 $0xFFFFD800  }
0x3f: {  	[spmem:s17] =	stream.linear.scatter [tilespmem:s28], [sflag:$0x9], $0x2800, $0x38;
	[tilespmem:$0x1ED00] =	vst v63  }
0x40: {  	_ =	swait.ge [sflag:s29], $0x2800  }
0x41: {  	[sflag:s29] =	ssyncset.done $0x0  }
0x42: {  	[sflag:s29] =	ssyncadd.s32 $0xFFFFD800  }
0x43: {  	[spmem:s18] =	stream.linear.scatter [tilespmem:s28], [sflag:$0x9], $0x2800, $0x38;
	[tilespmem:$0x1ED00] =	vst v63  }
0x44: {  	_ =	swait.ge [sflag:s29], $0x2800  }
0x45: {  	[sflag:s29] =	ssyncset.done $0x0  }
0x46: {  	[sflag:s29] =	ssyncadd.s32 $0xFFFFD800  }
0x47: {  	[spmem:s19] =	stream.linear.scatter [tilespmem:s28], [sflag:$0x9], $0x2800, $0x38;
	[tilespmem:$0x1ED00] =	vst v63  }
0x48: {  	_ =	swait.ge [sflag:s29], $0x2800  }
0x49: {  	[sflag:s29] =	ssyncset.done $0x0  }
0x4a: {  	[sflag:s29] =	ssyncadd.s32 $0xFFFFD800  }
0x4b: {  	[spmem:s20] =	stream.linear.scatter [tilespmem:s28], [sflag:$0x9], $0x2800, $0x38;
	[tilespmem:$0x1ED00] =	vst v63  }
0x4c: {  	_ =	swait.ge [sflag:s29], $0x2800  }
0x4d: {  	[sflag:s29] =	ssyncset.done $0x0  }
0x4e: {  	[sflag:s29] =	ssyncadd.s32 $0xFFFFD800  }
0x4f: {  	[spmem:s21] =	stream.linear.scatter [tilespmem:s28], [sflag:$0x9], $0x2800, $0x38;
	[tilespmem:$0x1ED00] =	vst v63  }
0x50: {  	_ =	swait.ge [sflag:s29], $0x2800  }
0x51: {  	[sflag:s29] =	ssyncset.done $0x0  }
0x52: {  	[sflag:s29] =	ssyncadd.s32 $0xFFFFD800  }
0x53: {  	[spmem:s22] =	stream.linear.scatter [tilespmem:s28], [sflag:$0x9], $0x2800, $0x38;
	[tilespmem:$0x1ED00] =	vst v63  }
0x54: {  	_ =	swait.ge [sflag:s29], $0x2800  }
0x55: {  	[sflag:s29] =	ssyncset.done $0x0  }
0x56: {  	s12 =	simm.s32 @!p0 $0x8280;
	[sflag:s29] =	ssyncadd.s32 $0xFFFFD800  }
0x57: {  	[spmem:s4] =	stream.linear.scatter @!p0 [tilespmem:s12], [sflag:$0x9], $0x2800, $0x38;
	[tilespmem:$0x1ED00] =	vst v63  }
0x58: {  	s12 =	simm.s32 @!p0 $0x9  }
0x59: {  	_ =	swait.ge @!p0 [sflag:s12], $0x2800  }
0x5a: {  	[sflag:s12] =	ssyncset.done @!p0 $0x0  }
0x5b: {  	[sflag:s12] =	ssyncadd.s32 @!p0 $0xFFFFD800  }
0x5c: {  	s12 =	simm.s32 $0x0;
	[bflag:$0x0] =	sbarrier.arrive $0xFFFF  }
.LBB2_4:
0x5d: {  	p2 =	seq.s32 s12, $0x0  }
0x5e: {  	s14 =	simm.s32 @p2 $0x1  }
0x5f: {  	_ =	swait.ge @p2 [sflag:s14], $0x80  }
0x60: {  	s15 =	simm.s32 @p2 $0x0;
	[sflag:s14] =	ssyncset.done @p2 $0x0  }
0x61: {  	s16 =	simm.s32 @p2 $0x280;
	[sflag:s14] =	ssyncadd.s32 @p2 $0xFFFFFF80;
	s14 =	simm.s32 @p2 $0x80  }
0x62: {  	[tilespmem:s16], [sflag:$0x5] =	stream.indirect.gather @p2 [hbm4b:s0+s14], $0x80, s15, s14, $0xb8;
	[tilespmem:$0x1ED00] =	vst v63  }
0x63: {  	s14 =	simm.s32 @!p2 $0x7  }
0x64: {  	_ =	swait.ge @!p2 [sflag:s14], $0x4000  }
0x65: {  	[sflag:s14] =	ssyncset.done @!p2 $0x0  }
0x66: {  	[sflag:s14] =	ssyncadd.s32 @!p2 $0xFFFFC000;
	s14 =	sadd.s32 @!p2 s12, s23  }
0x67: {  	s17 =	simm.s32 @!p2 $0x100;
	s16 =	simm.s32 @!p2 $0x0;
	s15 =	sadd.s32 @!p2 $0x9C40, s14  }
0x68: {  	[tilespmem:s17], [sflag:$0x3] =	stream.linear.gather @!p2 [hbm4b:s15+s16], $0x80, $0x38;
	[tilespmem:$0x1ED00] =	vst v63  }
0x69: {  	s15 =	simm.s32 @!p2 $0x1  }
0x6a: {  	_ =	swait.ge @!p2 [sflag:s15], $0x80  }
0x6b: {  	[sflag:s15] =	ssyncset.done @!p2 $0x0  }
0x6c: {  	s17 =	simm.s32 @!p2 $0x280;
	[sflag:s15] =	ssyncadd.s32 @!p2 $0xFFFFFF80;
	s15 =	simm.s32 @!p2 $0x80  }
0x6d: {  	[tilespmem:s17], [sflag:$0x5] =	stream.indirect.gather @!p2 [hbm4b:s0+s15], $0x80, s16, s15, $0xb8;
	[tilespmem:$0x1ED00] =	vst v63  }
0x6e: {  	s15 =	simm.s32 @!p2 $0x8  }
0x6f: {  	_ =	swait.ge @!p2 [sflag:s15], $0x4000  }
0x70: {  	[sflag:s15] =	ssyncset.done @!p2 $0x0  }
0x71: {  	s14 =	sadd.s32 @!p2 $0x9E40, s14;
	[sflag:s15] =	ssyncadd.s32 @!p2 $0xFFFFC000;
	s15 =	simm.s32 @!p2 $0x180  }
0x72: {  	[tilespmem:s15], [sflag:$0x4] =	stream.linear.gather @!p2 [hbm4b:s14+s16], $0x80, $0x38;
	[tilespmem:$0x1ED00] =	vst v63  }
0x73: {  	_ =	swait.ge [sflag:s30], $0x80  }
0x74: {  	[sflag:s30] =	ssyncset.done $0x0  }
0x75: {  	[sflag:s30] =	ssyncadd.s32 $0xFFFFFF80  }
0x76: {  	[tilespmem:s31], [sflag:$0x6] =	stream.indirect.gather [hbm4b:s0+s25], $0x80, s25, s25, $0xb8;
	[tilespmem:$0x1ED00] =	vst v63  }
0x77: {  	p2 =	seq.s32 s12, $0x9800;
	_ =	swait.ge [sflag:s2], $0x4000  }
0x78: {  	s14 =	sadd.s32 @!p2 s12, s23;
	[sflag:s2] =	ssyncset.done $0x0  }
0x79: {  	s16 =	simm.s32 @!p2 $0x0;
	s15 =	sadd.s32 @!p2 $0x400, s14;
	[sflag:s2] =	ssyncadd.s32 $0xFFFFC000  }
0x7a: {  	[tilespmem:s16], [sflag:$0x1] =	stream.linear.gather @!p2 [hbm4b:s15+s16], $0x80, $0x38;
	[tilespmem:$0x1ED00] =	vst v63  }
0x7b: {  	_ =	swait.ge [sflag:s3], $0x80  }
0x7c: {  	[sflag:s3] =	ssyncset.done $0x0  }
0x7d: {  	s17 =	rddreg [dreg:$0x5];
	[sflag:s3] =	ssyncadd.s32 $0xFFFFFF80  }
0x7e: {  	[spmem:s1] =	stream.indirect.scatter.add.f32 [tilespmem:s17], [sflag:$0x7], $0x80, s24, s25, $0xb8;
	[tilespmem:$0x1ED00] =	vst v63  }
0x7f: {  	v7 =	vld [tilespmem:$0x100];
	_ =	sdelay $0x7  }
0x80: {  	[tilespmem:v7+s28+$0x0] =	vst.idx.add.f32.msk $0xffff, v6  }
0x81: {  	v7 =	vld [tilespmem:$0x110];
	_ =	sdelay $0x7  }
0x82: {  	[tilespmem:v7+s28+$0x0] =	vst.idx.add.f32.msk $0xffff, v6  }
0x83: {  	v7 =	vld [tilespmem:$0x120];
	_ =	sdelay $0x7  }
0x84: {  	[tilespmem:v7+s28+$0x0] =	vst.idx.add.f32.msk $0xffff, v6  }
0x85: {  	v7 =	vld [tilespmem:$0x130];
	_ =	sdelay $0x7  }
0x86: {  	[tilespmem:v7+s28+$0x0] =	vst.idx.add.f32.msk $0xffff, v6  }
0x87: {  	v7 =	vld [tilespmem:$0x140];
	_ =	sdelay $0x7  }
0x88: {  	[tilespmem:v7+s28+$0x0] =	vst.idx.add.f32.msk $0xffff, v6  }
0x89: {  	v7 =	vld [tilespmem:$0x150];
	_ =	sdelay $0x7  }
0x8a: {  	[tilespmem:v7+s28+$0x0] =	vst.idx.add.f32.msk $0xffff, v6  }
0x8b: {  	v7 =	vld [tilespmem:$0x160];
	_ =	sdelay $0x7  }
0x8c: {  	[tilespmem:v7+s28+$0x0] =	vst.idx.add.f32.msk $0xffff, v6  }
0x8d: {  	v7 =	vld [tilespmem:$0x170];
	_ =	sdelay $0x7  }
0x8e: {  	[tilespmem:v7+s28+$0x0] =	vst.idx.add.f32.msk $0xffff, v6  }
0x8f: {  	_ =	swait.ge [sflag:s7], $0x4000  }
0x90: {  	[sflag:s7] =	ssyncset.done $0x0  }
0x91: {  	s14 =	sadd.s32 @!p2 $0x600, s14;
	s15 =	simm.s32 @!p2 $0x80;
	[sflag:s7] =	ssyncadd.s32 $0xFFFFC000  }
0x92: {  	[tilespmem:s15], [sflag:$0x2] =	stream.linear.gather @!p2 [hbm4b:s14+s16], $0x80, $0x38;
	[tilespmem:$0x1ED00] =	vst v63  }
0x93: {  	_ =	swait.ge [sflag:s8], $0x80  }
0x94: {  	[sflag:s8] =	ssyncset.done $0x0  }
0x95: {  	[sflag:s8] =	ssyncadd.s32 $0xFFFFFF80  }
0x96: {  	[spmem:s1] =	stream.indirect.scatter.add.f32 [tilespmem:s31], [sflag:$0x8], $0x80, s26, s25, $0xb8;
	[tilespmem:$0x1ED00] =	vst v63  }
0x97: {  	v7 =	vld [tilespmem:$0x180];
	_ =	sdelay $0x7  }
0x98: {  	[tilespmem:v7+s28+$0x0] =	vst.idx.add.f32.msk $0xffff, v6  }
0x99: {  	v7 =	vld [tilespmem:$0x190];
	_ =	sdelay $0x7  }
0x9a: {  	[tilespmem:v7+s28+$0x0] =	vst.idx.add.f32.msk $0xffff, v6  }
0x9b: {  	v7 =	vld [tilespmem:$0x1A0];
	_ =	sdelay $0x7  }
0x9c: {  	[tilespmem:v7+s28+$0x0] =	vst.idx.add.f32.msk $0xffff, v6  }
0x9d: {  	v7 =	vld [tilespmem:$0x1B0];
	_ =	sdelay $0x7  }
0x9e: {  	[tilespmem:v7+s28+$0x0] =	vst.idx.add.f32.msk $0xffff, v6  }
0x9f: {  	v7 =	vld [tilespmem:$0x1C0];
	_ =	sdelay $0x7  }
0xa0: {  	[tilespmem:v7+s28+$0x0] =	vst.idx.add.f32.msk $0xffff, v6  }
0xa1: {  	v7 =	vld [tilespmem:$0x1D0];
	_ =	sdelay $0x7  }
0xa2: {  	[tilespmem:v7+s28+$0x0] =	vst.idx.add.f32.msk $0xffff, v6  }
0xa3: {  	v7 =	vld [tilespmem:$0x1E0];
	_ =	sdelay $0x7  }
0xa4: {  	[tilespmem:v7+s28+$0x0] =	vst.idx.add.f32.msk $0xffff, v6  }
0xa5: {  	v7 =	vld [tilespmem:$0x1F0];
	_ =	sdelay $0x1  }
0xa6: {  	s12 =	sadd.s32 $0x400, s12  }
0xa7: {  	p2 =	sne.s32 s12, $0x9C00  }
.Ltmp1:
0xa8: {  	_ = 	snop;
	(pc) =	sbr.rel @p2 .LBB2_4-.Ltmp1, $2  }
0xa9: {  	_ =	sdelay $0x2  }
0xaa: {  	[tilespmem:v7+s28+$0x0] =	vst.idx.add.f32.msk $0xffff, v6  }
0xab: {  	_ =	swait.ge [sflag:s9], $0x4000  }
0xac: {  	[sflag:s9] =	ssyncset.done $0x0  }
0xad: {  	[sflag:s9] =	ssyncadd.s32 $0xFFFFC000  }
0xae: {  	_ =	swait.ge [sflag:s10], $0x4000  }
0xaf: {  	[sflag:s10] =	ssyncset.done $0x0  }
0xb0: {  	s12 =	simm.s32 @!p1 $0x0;
	s14 =	rddreg [dreg:$0x9];
	[sflag:s10] =	ssyncadd.s32 $0xFFFFC000  }
0xb1: {  	[tilespmem:s12], [sflag:$0x9] =	stream.linear.gather @!p1 [hbm4b:s14+s12], $0x80, $0x38;
	[tilespmem:$0x1ED00] =	vst v63  }
0xb2: {  	s14 =	simm.s32 @!p1 $0x9  }
0xb3: {  	_ =	swait.ge @!p1 [sflag:s14], $0x80  }
0xb4: {  	[sflag:s14] =	ssyncset.done @!p1 $0x0  }
0xb5: {  	s15 =	simm.s32 @!p1 $0x100;
	s16 =	rddreg [dreg:$0xa];
	[sflag:s14] =	ssyncadd.s32 @!p1 $0xFFFFFF80  }
0xb6: {  	[tilespmem:s15], [sflag:$0x9] =	stream.linear.gather @!p1 [hbm4b:s16+s12], $0x80, $0x38;
	[tilespmem:$0x1ED00] =	vst v63  }
0xb7: {  	_ =	swait.ge @!p1 [sflag:s14], $0x80  }
0xb8: {  	[sflag:s14] =	ssyncset.done @!p1 $0x0  }
0xb9: {  	s17 =	simm.s32 @!p1 $0x280;
	s16 =	simm.s32 @!p1 $0x80;
	[sflag:s14] =	ssyncadd.s32 @!p1 $0xFFFFFF80  }
0xba: {  	[tilespmem:s17], [sflag:$0x9] =	stream.indirect.gather @!p1 [hbm4b:s0+s16], $0x80, s12, s16, $0xb8;
	[tilespmem:$0x1ED00] =	vst v63  }
0xbb: {  	_ =	swait.ge @!p1 [sflag:s14], $0x4000  }
0xbc: {  	[sflag:s14] =	ssyncset.done @!p1 $0x0  }
0xbd: {  	[sflag:s14] =	ssyncadd.s32 @!p1 $0xFFFFC000  }
0xbe: {  	[spmem:s1] =	stream.indirect.scatter.add.f32 @!p1 [tilespmem:s17], [sflag:$0x9], $0x80, s15, s16, $0xb8;
	[tilespmem:$0x1ED00] =	vst v63  }
0xbf: {  	_ =	swait.ge @!p1 [sflag:s14], $0x4000  }
0xc0: {  	[sflag:s14] =	ssyncset.done @!p1 $0x0  }
0xc1: {  	[sflag:s14] =	ssyncadd.s32 @!p1 $0xFFFFC000  }
0xc2: {  	v7 =	vld @!p1 [tilespmem:$0x100];
	_ =	sdelay $0x6  }
0xc3: {  	v8 =	vimm.f32 @!p1 $1.000000000e+00;
	s12 =	simm.s32 @!p1 $0x8280  }
0xc4: {  	[tilespmem:v7+s12+$0x0] =	vst.idx.add.f32.msk @!p1 $0xffff, v8  }
0xc5: {  	v7 =	vld @!p1 [tilespmem:$0x110];
	_ =	sdelay $0x7  }
0xc6: {  	[tilespmem:v7+s12+$0x0] =	vst.idx.add.f32.msk @!p1 $0xffff, v8  }
0xc7: {  	v7 =	vld @!p1 [tilespmem:$0x120];
	_ =	sdelay $0x7  }
0xc8: {  	[tilespmem:v7+s12+$0x0] =	vst.idx.add.f32.msk @!p1 $0xffff, v8  }
0xc9: {  	v7 =	vld @!p1 [tilespmem:$0x130];
	_ =	sdelay $0x7  }
0xca: {  	[tilespmem:v7+s12+$0x0] =	vst.idx.add.f32.msk @!p1 $0xffff, v8  }
0xcb: {  	v7 =	vld @!p1 [tilespmem:$0x140];
	_ =	sdelay $0x7  }
0xcc: {  	[tilespmem:v7+s12+$0x0] =	vst.idx.add.f32.msk @!p1 $0xffff, v8  }
0xcd: {  	v7 =	vld @!p1 [tilespmem:$0x150];
	_ =	sdelay $0x7  }
0xce: {  	[tilespmem:v7+s12+$0x0] =	vst.idx.add.f32.msk @!p1 $0xffff, v8  }
0xcf: {  	v7 =	vld @!p1 [tilespmem:$0x160];
	_ =	sdelay $0x7  }
0xd0: {  	[tilespmem:v7+s12+$0x0] =	vst.idx.add.f32.msk @!p1 $0xffff, v8  }
0xd1: {  	v7 =	vld @!p1 [tilespmem:$0x170];
	_ =	sdelay $0x7  }
0xd2: {  	s16 =	simm.s32 $0x50;
	s17 =	simm.s32 $0x200;
	[tilespmem:v7+s12+$0x0] =	vst.idx.add.f32.msk @!p1 $0xffff, v8  }
0xd3: {  	[spmem:s4] =	stream.indirect.scatter.add.f32 [tilespmem:s28], [sflag:$0x9], $0x80, s17, s16, $0xb8;
	[tilespmem:$0x1ED00] =	vst v63  }
0xd4: {  	_ =	swait.ge [sflag:s29], $0x2800  }
0xd5: {  	[sflag:s29] =	ssyncset.done $0x0  }
0xd6: {  	s14 =	stileid.u32;
	[sflag:s29] =	ssyncadd.s32 $0xFFFFD800  }
0xd7: {  	s12 =	sshll.u32 s14, $0x6;
	[bflag:$0x0] =	sbarrier.arrive $0xFFFF  }
0xd8: {  	s15 =	sshrl.u32 s13, $0x3;
	s12 =	sor.u32 $0x1C09, s12;
	s16 =	rddreg [dreg:$0xb]  }
0xd9: {  	[hbm:s16], [sflag:s12] =	dma.local [spmem:s15], $0x2800  }
0xda: {  	_ =	swait.ge [sflag:s29], $0x2800  }
0xdb: {  	[sflag:s29] =	ssyncset.done $0x0  }
0xdc: {  	s14 =	sshrl.u32 @!p0 s4, $0x3;
	s15 =	rddreg [dreg:$0xc];
	[sflag:s29] =	ssyncadd.s32 $0xFFFFD800  }
0xdd: {  	[hbm:s15], [sflag:s12] =	dma.local @!p0 [spmem:s14], $0x500  }
0xde: {  	s12 =	simm.s32 @!p0 $0x9  }
0xdf: {  	_ =	swait.ge @!p0 [sflag:s12], $0x500  }
0xe0: {  	s11 =	sadd.s32 $0x1, s11;
	s17 =	rddreg [dreg:$0xd]  }
0xe1: {  	p2 =	sne.s32 s11, s17  }
.Ltmp2:
0xe2: {  	_ = 	snop;
	(pc) =	sbr.rel @p2 .LBB2_1-.Ltmp2, $3  }
0xe3: {  	_ =	sdelay $0x1  }
0xe4: {  	[sflag:s12] =	ssyncset.done @!p0 $0x0  }
0xe5: {  	[sflag:s12] =	ssyncadd.s32 @!p0 $0xFFFFFB00  }
0xe6: {  	_ =	sfence.sel $0x180000  }
0xe7: {  	[bflag:$0x0] =	sbarrier.arrive $0xFFFF  }
0xe8: {  	_ =	strace $0x90000047  }
0xe9: {  	[bflag:$0x2] =	sbarrier.arrive $0xFFFF  }
0xea: {  	s0 =	rddreg [dreg:$0x4]  }
0xeb: {  	s0 =	sadd.s32 @!p0 $0x100000, s0  }
0xec: {  	[sflag:s0] =	ssyncadd.tile.s32 @!p0 $0x1;
	_ =	shalt  }
.Lfunc_end2:
_tile_overlayer_lowered:
.L_overlay_start_2:
0xed: {  	(tag) =	ssettag $0x2  }
0xee: {  	s0 =	rddreg [dreg:$0x0];
	s2 =	stileid.u32  }
0xef: {  	s1 =	rddreg [dreg:$0x1];
	p0 =	sne.s32 s2, $0x0  }
0xf0: {  	s3 =	rddreg [dreg:$0x2];
	[bflag:$0x3] =	sbarrier.arrive $0xFFFF;
	s2 =	simm.s32 @!p0 $0x1C09  }
0xf1: {  	[timem:s3], [sflag:s2] =	dma.local @!p0 [hbm:s0], s1  }
0xf2: {  	s0 =	simm.s32 @!p0 $0x9  }
0xf3: {  	_ =	swait.ge @!p0 [sflag:s0], s1  }
0xf4: {  	s1 =	ssub.s32 @!p0 $0x0, s1;
	[sflag:s0] =	ssyncset.done @!p0 $0x0  }
0xf5: {  	[sflag:s0] =	ssyncadd.s32 @!p0 s1  }
0xf6: {  	[bflag:$0x3] =	sbarrier.arrive $0xFFFF  }
0xf7: {  	_ =	shalt  }

</sc_bundles>
